<compile_context>
chip_gen: v7x
topology: tpu7x:2x2x1
jax: 0.10.2.dev20260603
libtpu: 0.0.44.dev20260713+nightly
codegen_flags: <defaults>
</compile_context>

<pallas_src>
import numpy as np
import jax
import jax.numpy as jnp
from jax import lax
from jax.experimental import pallas as pl
from jax.experimental.pallas import tpu as pltpu
from jax.experimental.pallas import tpu_sc as plsc

_N = 50000
_M = 50000
_E = 20
_TOT = _N + _M
_B = 16384

_BL = 8192
_GRID = (_TOT + _BL - 1) // _BL
_CW = 128

_BP = 8192
_PGRID = _B // _BP

_NW = 32
_PPW = _B // _NW
_CHUNK = 128

_LO = np.float32(np.nextafter(np.float32(-1.0), np.float32(0.0)))
_SPAN = np.float32(np.float32(1.0) - _LO)
_SQRT2 = np.float32(np.sqrt(np.float32(2.0)))


def _threefry_bits(k0, k1, cnt):
    ks2 = k0 ^ k1 ^ jnp.uint32(0x1BD11BDA)
    x0 = jnp.zeros_like(cnt) + k0
    x1 = cnt + k1
    rot1 = (13, 15, 26, 6)
    rot2 = (17, 29, 16, 24)

    def rounds(x0, x1, rots):
        for r in rots:
            x0 = x0 + x1
            x1 = lax.shift_left(x1, jnp.uint32(r)) | lax.shift_right_logical(
                x1, jnp.uint32(32 - r))
            x1 = x0 ^ x1
        return x0, x1

    x0, x1 = rounds(x0, x1, rot1)
    x0 = x0 + k1
    x1 = x1 + ks2 + jnp.uint32(1)
    x0, x1 = rounds(x0, x1, rot2)
    x0 = x0 + ks2
    x1 = x1 + k0 + jnp.uint32(2)
    x0, x1 = rounds(x0, x1, rot1)
    x0 = x0 + k0
    x1 = x1 + k1 + jnp.uint32(3)
    x0, x1 = rounds(x0, x1, rot2)
    x0 = x0 + k1
    x1 = x1 + ks2 + jnp.uint32(4)
    x0, x1 = rounds(x0, x1, rot1)
    x0 = x0 + ks2
    x1 = x1 + k0 + jnp.uint32(5)
    return x0 ^ x1


def _bits_to_normal(bits):
    fl = lax.bitcast_convert_type(
        lax.shift_right_logical(bits, jnp.uint32(9)) | jnp.uint32(0x3F800000),
        jnp.float32) - np.float32(1.0)
    u = jnp.maximum(_LO, fl * _SPAN + _LO)
    return _SQRT2 * lax.erf_inv(u)


def _comb_body(biasT_ref, entT_ref, comb_ref):
    entR = entT_ref[...].T
    biasR = biasT_ref[...].T
    comb_ref[...] = jnp.concatenate(
        [entR, biasR, jnp.zeros((_BL, _CW - 2 * _E - 2), jnp.float32)], axis=1)


def _kl_body(scal_ref, up_ref, ip_ref, biasT_ref, entT_ref,
             klb_ref, kle_ref, klg_ref, std_ref):
    pid = pl.program_id(0)
    sp = jax.nn.softplus
    alpha = scal_ref[0]
    gbm = scal_ref[1]
    gbs = scal_ref[2]
    prec_g = scal_ref[3]
    prec_ub = scal_ref[4]
    prec_ib = scal_ref[5]

    gb_scale = sp(gbs)
    prior_g = sp(prec_g)
    klg_ref[...] = jnp.full((1, 1), jnp.log(prior_g / gb_scale)
                            + (gb_scale * gb_scale + gbm * gbm) / (2.0 * prior_g * prior_g)
                            - 0.5, jnp.float32)
    std_ref[...] = jnp.full((1, 1), jnp.sqrt(1.0 / sp(alpha)), jnp.float32)

    lane = pid * _BL + lax.broadcasted_iota(jnp.int32, (1, _BL), 1)
    is_user = lane < _N

    bl = biasT_ref[0:1, :]
    bs = sp(biasT_ref[1:2, :])
    pbu = sp(prec_ub)
    pbi = sp(prec_ib)
    logpb = jnp.where(is_user, jnp.log(pbu), jnp.log(pbi))
    wb = jnp.where(is_user, 1.0 / (2.0 * pbu * pbu), 1.0 / (2.0 * pbi * pbi))
    klb_ref[...] = (logpb - jnp.log(bs) + (bs * bs + bl * bl) * wb - 0.5).reshape(_BL)

    loc = entT_ref[0:_E, :]
    esc = sp(entT_ref[_E:, :])
    pu = sp(up_ref[...])
    pi_ = sp(ip_ref[...])
    w = jnp.where(is_user, 1.0 / (2.0 * pu * pu), 1.0 / (2.0 * pi_ * pi_))
    logp = jnp.where(is_user, jnp.sum(jnp.log(pu)), jnp.sum(jnp.log(pi_)))
    f = (esc * esc + loc * loc) * w - jnp.log(esc)
    kle_ref[...] = (jnp.sum(f, axis=0, keepdims=True) + (logp - 0.5 * _E)).reshape(_BL)


def _sc_body(comb_hbm, iu_hbm, ii_hbm, uout_hbm, iout_hbm, iu_v, ii_v, rows, sem):
    c = lax.axis_index("c")
    s = lax.axis_index("s")
    wid = s * 2 + c
    base = wid * _PPW
    pltpu.sync_copy(iu_hbm.at[pl.ds(base, _PPW)], iu_v)
    pltpu.sync_copy(ii_hbm.at[pl.ds(base, _PPW)], ii_v)

    for idx_v, out_hbm in ((iu_v, uout_hbm), (ii_v, iout_hbm)):
        copies = []
        for j in range(_PPW // _CHUNK):
            sl = pl.ds(j * _CHUNK, _CHUNK)
            copies.append(pltpu.async_copy(comb_hbm.at[idx_v.at[sl]], rows.at[sl], sem))
        for cp in copies:
            cp.wait()
        pltpu.sync_copy(rows, out_hbm.at[pl.ds(base, _PPW), :])


def _pred_body(scal_ref, keys_ref, u_ref, i_ref, iu_ref, ii_ref, out_ref):
    sp = jax.nn.softplus
    gbm = scal_ref[1]
    gbs = scal_ref[2]
    eps_g = scal_ref[6]
    global_bias = gbm + sp(gbs) * eps_g

    k2a = keys_ref[0]
    k2b = keys_ref[1]
    k3a = keys_ref[2]
    k3b = keys_ref[3]

    def side(rows_ref, idx_ref):
        rT = rows_ref[...].T
        loc = rT[0:_E, :]
        scp = rT[_E:2 * _E, :]
        bloc = rT[2 * _E:2 * _E + 1, :]
        bscp = rT[2 * _E + 1:2 * _E + 2, :]
        idx = lax.convert_element_type(idx_ref[...], jnp.uint32)
        cnt_e = idx * jnp.uint32(_E) + lax.broadcasted_iota(jnp.uint32, (_E, _BP), 0)
        eps_e = _bits_to_normal(_threefry_bits(k3a, k3b, cnt_e))
        eps_b = _bits_to_normal(_threefry_bits(k2a, k2b, idx))
        ae = loc + sp(scp) * eps_e
        ab = bloc + sp(bscp) * eps_b
        return ae, ab

    ae_u, ab_u = side(u_ref, iu_ref)
    ae_i, ab_i = side(i_ref, ii_ref)
    out_ref[...] = (jnp.sum(ae_u * ae_i, axis=0, keepdims=True)
                    + ab_u + ab_i + global_bias).reshape(_BP)


def _gather_rows(comb0, iu, ii):
    mesh = plsc.VectorSubcoreMesh(core_axis_name="c", subcore_axis_name="s")
    return pl.kernel(
        _sc_body,
        out_type=[jax.ShapeDtypeStruct((_B, _CW), jnp.float32),
                  jax.ShapeDtypeStruct((_B, _CW), jnp.float32)],
        mesh=mesh,
        scratch_types=[
            pltpu.VMEM((_PPW,), jnp.int32),
            pltpu.VMEM((_PPW,), jnp.int32),
            pltpu.VMEM((_PPW, _CW), jnp.float32),
            pltpu.SemaphoreType.DMA,
        ],
    )(comb0, iu, ii)


def kernel(x, bias_table, entity_table, alpha, global_bias_mean, global_bias_scale,
           prec_global_bias_prior, prec_user_bias_prior, prec_item_bias_prior,
           prec_user_entity_prior, prec_item_entity_prior):
    ek1, ek2, ek3 = jax.random.split(jax.random.key(42), 3)
    eps_g = jax.random.normal(ek1, (1, 1), dtype=jnp.float32)
    keys = jnp.concatenate([jax.random.key_data(ek2),
                            jax.random.key_data(ek3)]).astype(jnp.uint32)

    scal = jnp.concatenate([
        alpha.reshape(1).astype(jnp.float32),
        global_bias_mean.reshape(1).astype(jnp.float32),
        global_bias_scale.reshape(1).astype(jnp.float32),
        prec_global_bias_prior.reshape(1).astype(jnp.float32),
        prec_user_bias_prior.reshape(1).astype(jnp.float32),
        prec_item_bias_prior.reshape(1).astype(jnp.float32),
        eps_g.reshape(1),
        jnp.zeros((1,), jnp.float32),
    ])

    biasT = bias_table.astype(jnp.float32).T
    entT = entity_table.astype(jnp.float32).T
    up_t = prec_user_entity_prior.astype(jnp.float32).reshape(_E, 1)
    ip_t = prec_item_entity_prior.astype(jnp.float32).reshape(_E, 1)

    comb0 = pl.pallas_call(
        _comb_body,
        grid=(_GRID,),
        in_specs=[
            pl.BlockSpec((2, _BL), lambda i: (0, i)),
            pl.BlockSpec((2 * _E, _BL), lambda i: (0, i)),
        ],
        out_specs=pl.BlockSpec((_BL, _CW), lambda i: (i, 0)),
        out_shape=jax.ShapeDtypeStruct((_TOT, _CW), jnp.float32),
    )(biasT, entT)

    iu = x[:, 0].astype(jnp.int32)
    ii = x[:, 1].astype(jnp.int32)
    u_rows, i_rows = _gather_rows(comb0, iu, ii)

    klb, kle, klg, std = pl.pallas_call(
        _kl_body,
        grid=(_GRID,),
        in_specs=[
            pl.BlockSpec(memory_space=pltpu.SMEM),
            pl.BlockSpec((_E, 1), lambda i: (0, 0)),
            pl.BlockSpec((_E, 1), lambda i: (0, 0)),
            pl.BlockSpec((2, _BL), lambda i: (0, i)),
            pl.BlockSpec((2 * _E, _BL), lambda i: (0, i)),
        ],
        out_specs=[
            pl.BlockSpec((_BL,), lambda i: (i,)),
            pl.BlockSpec((_BL,), lambda i: (i,)),
            pl.BlockSpec((1, 1), lambda i: (0, 0)),
            pl.BlockSpec((1, 1), lambda i: (0, 0)),
        ],
        out_shape=[
            jax.ShapeDtypeStruct((_TOT,), jnp.float32),
            jax.ShapeDtypeStruct((_TOT,), jnp.float32),
            jax.ShapeDtypeStruct((1, 1), jnp.float32),
            jax.ShapeDtypeStruct((1, 1), jnp.float32),
        ],
    )(scal, up_t, ip_t, biasT, entT)

    pred = pl.pallas_call(
        _pred_body,
        grid=(_PGRID,),
        in_specs=[
            pl.BlockSpec(memory_space=pltpu.SMEM),
            pl.BlockSpec(memory_space=pltpu.SMEM),
            pl.BlockSpec((_BP, _CW), lambda i: (i, 0)),
            pl.BlockSpec((_BP, _CW), lambda i: (i, 0)),
            pl.BlockSpec((1, _BP), lambda i: (0, i)),
            pl.BlockSpec((1, _BP), lambda i: (0, i)),
        ],
        out_specs=pl.BlockSpec((_BP,), lambda i: (i,)),
        out_shape=jax.ShapeDtypeStruct((_B,), jnp.float32),
    )(scal, keys, u_rows, i_rows, iu.reshape(1, _B), ii.reshape(1, _B))

    return (pred,
            std.reshape(1),
            klg.reshape(1),
            klb,
            kle)

# --- scband reference (transcript-rebuilt; emitter-appended) ---
"""Pipeline reference for scband-cf-90409061580859 (READ-ONLY COPY).

The authoritative reference and input builder live on the scoring server;
editing this copy changes nothing except your own understanding.
"""

import jax, jax.numpy as jnp
import numpy as np

N = 50000
M = 50000
EMBEDDING_SIZE = 20
N_VARIATIONAL_SAMPLES = 1
BATCH = 16384


def kl_normal(m1, s1, m2, s2):
    return jnp.log(s2 / s1) + (s1 ** 2 + (m1 - m2) ** 2) / (2.0 * s2 ** 2) - 0.5


def setup_inputs(seed: int = 0) -> dict:
    key = jax.random.key(seed)
    k1, k2, k3 = jax.random.split(key, 3)
    x = jax.random.randint(k1, (BATCH, 2), 0, N + M)
    bias_table = jax.random.normal(k2, (N + M, 2), dtype=jnp.float32) * 0.1
    entity_table = jax.random.normal(k3, (N + M, 2 * EMBEDDING_SIZE), dtype=jnp.float32) * 0.1
    return {
        'x': x,
        'bias_table': bias_table,
        'entity_table': entity_table,
        'alpha': jnp.array([1000.0], dtype=jnp.float32),
        'global_bias_mean': jnp.array([0.0], dtype=jnp.float32),
        'global_bias_scale': jnp.array([1.0], dtype=jnp.float32),
        'prec_global_bias_prior': jnp.array([1.0], dtype=jnp.float32),
        'prec_user_bias_prior': jnp.array([1.0], dtype=jnp.float32),
        'prec_item_bias_prior': jnp.array([1.0], dtype=jnp.float32),
        'prec_user_entity_prior': jnp.ones((1, EMBEDDING_SIZE), dtype=jnp.float32),
        'prec_item_entity_prior': jnp.ones((1, EMBEDDING_SIZE), dtype=jnp.float32),
    }


def reference(x, bias_table, entity_table, alpha, global_bias_mean, global_bias_scale,
              prec_global_bias_prior, prec_user_bias_prior, prec_item_bias_prior,
              prec_user_entity_prior, prec_item_entity_prior):
    sp = jax.nn.softplus
    ek1, ek2, ek3 = jax.random.split(jax.random.key(42), 3)

    # draw(): reparameterized samples from the variational posteriors
    gb_scale = sp(global_bias_scale)
    eps_g = jax.random.normal(ek1, (N_VARIATIONAL_SAMPLES, 1), dtype=jnp.float32)
    global_bias = jnp.mean(global_bias_mean + gb_scale * eps_g)

    bias_loc = bias_table[:, 0]
    bias_scale = sp(bias_table[:, 1])
    eps_b = jax.random.normal(ek2, (N_VARIATIONAL_SAMPLES, N + M), dtype=jnp.float32)
    all_bias = bias_loc[None, :] + bias_scale[None, :] * eps_b

    ent_loc = entity_table[:, :EMBEDDING_SIZE]
    ent_scale = sp(entity_table[:, EMBEDDING_SIZE:])
    eps_e = jax.random.normal(ek3, (N_VARIATIONAL_SAMPLES, N + M, EMBEDDING_SIZE), dtype=jnp.float32)
    all_entity = ent_loc[None, :, :] + ent_scale[None, :, :] * eps_e

    # forward: gather sampled biases/embeddings for (user, item) index pairs
    flat = x.reshape(-1)
    biases = jnp.take(all_bias, flat, axis=1).reshape(N_VARIATIONAL_SAMPLES, -1, 2)
    entities = jnp.take(all_entity, flat, axis=1).reshape(N_VARIATIONAL_SAMPLES, -1, 2, EMBEDDING_SIZE)
    sum_users_items_biases = jnp.squeeze(jnp.mean(jnp.sum(biases, axis=2), axis=0))
    users_items_emb = jnp.mean(jnp.sum(jnp.prod(entities, axis=2), axis=2), axis=0)
    std_dev = jnp.sqrt(1.0 / sp(alpha))
    unscaled_pred = global_bias + sum_users_items_biases + users_items_emb

    # update_priors() + KL divergences
    prior_g_scale = sp(prec_global_bias_prior)
    kl_global = kl_normal(global_bias_mean, gb_scale, 0.0, prior_g_scale)
    prior_bias_scale = sp(jnp.concatenate([jnp.repeat(prec_user_bias_prior, N), jnp.repeat(prec_item_bias_prior, M)]))
    kl_bias = kl_normal(bias_loc, bias_scale, 0.0, prior_bias_scale)
    prior_ent_scale = sp(jnp.concatenate([jnp.tile(prec_user_entity_prior, (N, 1)), jnp.tile(prec_item_entity_prior, (M, 1))], axis=0))
    kl_entity = jnp.sum(kl_normal(ent_loc, ent_scale, 0.0, prior_ent_scale), axis=-1)

    return (unscaled_pred, std_dev, kl_global, kl_bias, kl_entity)

if __name__ == "__main__":
    import jax
    _d = setup_inputs()
    print(jax.jit(kernel)(*tuple(_d.values())))

</pallas_src>

<mosaic_0001>
#map = affine_map<(d0, d1) -> (0, 0)>
#map1 = affine_map<(d0, d1) -> (0)>
module attributes {stable_mosaic.version = 14 : i64} {
  func.func @_sc_body(%arg0: i32, %arg1: i32, %arg2: memref<100000x128xf32, #tpu.memory_space<hbm>>, %arg3: memref<16384xi32, #tpu.memory_space<hbm>>, %arg4: memref<16384xi32, #tpu.memory_space<hbm>>, %arg5: memref<16384x128xf32, #tpu.memory_space<hbm>>, %arg6: memref<16384x128xf32, #tpu.memory_space<hbm>>, %arg7: memref<512xi32, #tpu.memory_space<vmem>>, %arg8: memref<512xi32, #tpu.memory_space<vmem>>, %arg9: memref<512x128xf32, #tpu.memory_space<vmem>>, %arg10: memref<!tpu.dma_semaphore, #tpu.memory_space<semaphore_mem>>) attributes {dimension_semantics = [#tpu.dimension_semantics<core_parallel>, #tpu.dimension_semantics<subcore_parallel>], iteration_bounds = array<i64: 2, 16>, scalar_prefetch = 0 : i64, scratch_operands = 4 : i64, tpu.core_type = #tpu.core_type<sc_vector_subcore>, window_params = [{transform_indices = #map}, {transform_indices = #map1}, {transform_indices = #map1}, {transform_indices = #map}, {transform_indices = #map}]} {
    %mul3A = arith.constant 2 : i32
    %mul3A_0 = arith.muli %arg1, %mul3A : i32
    %add3A = arith.addi %mul3A_0, %arg0 : i32
    %mul3A_1 = arith.constant 512 : i32
    %mul3A_2 = arith.muli %add3A, %mul3A_1 : i32
    "tpu.region"() ({
      %run_scoped3A = tpu.sem_alloc : memref<!tpu.dma_semaphore, #tpu.memory_space<semaphore_mem>>
      %dma_start3A_129 = tpu.memref_slice %arg3[%mul3A_2] : memref<16384xi32, #tpu.memory_space<hbm>> -> memref<512xi32, #tpu.memory_space<hbm>>
      %dma_start3A_130 = tpu.memref_slice %arg3[%mul3A_2] : memref<16384xi32, #tpu.memory_space<hbm>> -> memref<512xi32, #tpu.memory_space<hbm>>
      tpu.enqueue_dma source(%dma_start3A_130 : memref<512xi32, #tpu.memory_space<hbm>>) target(%arg7 : memref<512xi32, #tpu.memory_space<vmem>>) target_semaphore(%run_scoped3A : memref<!tpu.dma_semaphore, #tpu.memory_space<semaphore_mem>>)
      %dma_wait3A_131 = tpu.memref_slice %arg3[%mul3A_2] : memref<16384xi32, #tpu.memory_space<hbm>> -> memref<512xi32, #tpu.memory_space<hbm>>
      %dma_wait3A_132 = tpu.memref_slice %arg3[%mul3A_2] : memref<16384xi32, #tpu.memory_space<hbm>> -> memref<512xi32, #tpu.memory_space<hbm>>
      tpu.wait_dma2 semaphore(%run_scoped3A : memref<!tpu.dma_semaphore, #tpu.memory_space<semaphore_mem>>) src(%dma_wait3A_132 : memref<512xi32, #tpu.memory_space<hbm>>) dst(%arg7 : memref<512xi32, #tpu.memory_space<vmem>>)
      tpu.yield
    }) : () -> ()
    "tpu.region"() ({
      %run_scoped3A = tpu.sem_alloc : memref<!tpu.dma_semaphore, #tpu.memory_space<semaphore_mem>>
      %dma_start3A_129 = tpu.memref_slice %arg4[%mul3A_2] : memref<16384xi32, #tpu.memory_space<hbm>> -> memref<512xi32, #tpu.memory_space<hbm>>
      %dma_start3A_130 = tpu.memref_slice %arg4[%mul3A_2] : memref<16384xi32, #tpu.memory_space<hbm>> -> memref<512xi32, #tpu.memory_space<hbm>>
      tpu.enqueue_dma source(%dma_start3A_130 : memref<512xi32, #tpu.memory_space<hbm>>) target(%arg8 : memref<512xi32, #tpu.memory_space<vmem>>) target_semaphore(%run_scoped3A : memref<!tpu.dma_semaphore, #tpu.memory_space<semaphore_mem>>)
      %dma_wait3A_131 = tpu.memref_slice %arg4[%mul3A_2] : memref<16384xi32, #tpu.memory_space<hbm>> -> memref<512xi32, #tpu.memory_space<hbm>>
      %dma_wait3A_132 = tpu.memref_slice %arg4[%mul3A_2] : memref<16384xi32, #tpu.memory_space<hbm>> -> memref<512xi32, #tpu.memory_space<hbm>>
      tpu.wait_dma2 semaphore(%run_scoped3A : memref<!tpu.dma_semaphore, #tpu.memory_space<semaphore_mem>>) src(%dma_wait3A_132 : memref<512xi32, #tpu.memory_space<hbm>>) dst(%arg8 : memref<512xi32, #tpu.memory_space<vmem>>)
      tpu.yield
    }) : () -> ()
    %dma_start3A = arith.constant 0 : i32
    %dma_start3A_3 = arith.constant 0 : i32
    %dma_start3A_4 = tpu.memref_slice %arg9[%dma_start3A, %dma_start3A_3] : memref<512x128xf32, #tpu.memory_space<vmem>> -> memref<128x128xf32, #tpu.memory_space<vmem>>
    %dma_start3A_5 = arith.constant 0 : i32
    %dma_start3A_6 = tpu.memref_slice %arg7[%dma_start3A_5] : memref<512xi32, #tpu.memory_space<vmem>> -> memref<128xi32, #tpu.memory_space<vmem>>
    %dma_start3A_7 = arith.constant 0 : i32
    %dma_start3A_8 = arith.constant 0 : i32
    %dma_start3A_9 = tpu.memref_slice %arg2[%dma_start3A_7, %dma_start3A_8] : memref<100000x128xf32, #tpu.memory_space<hbm>> -> memref<100000x128xf32, #tpu.memory_space<hbm>>
    tpu.enqueue_indirect_dma source(%dma_start3A_9 : memref<100000x128xf32, #tpu.memory_space<hbm>>) target(%dma_start3A_4 : memref<128x128xf32, #tpu.memory_space<vmem>>) offsets(%dma_start3A_6 : memref<128xi32, #tpu.memory_space<vmem>>) semaphore(%arg10 : memref<!tpu.dma_semaphore, #tpu.memory_space<semaphore_mem>>)
    %dma_start3A_10 = arith.constant 128 : i32
    %dma_start3A_11 = arith.constant 0 : i32
    %dma_start3A_12 = tpu.memref_slice %arg9[%dma_start3A_10, %dma_start3A_11] : memref<512x128xf32, #tpu.memory_space<vmem>> -> memref<128x128xf32, #tpu.memory_space<vmem>>
    %dma_start3A_13 = arith.constant 128 : i32
    %dma_start3A_14 = tpu.memref_slice %arg7[%dma_start3A_13] : memref<512xi32, #tpu.memory_space<vmem>> -> memref<128xi32, #tpu.memory_space<vmem>>
    %dma_start3A_15 = arith.constant 0 : i32
    %dma_start3A_16 = arith.constant 0 : i32
    %dma_start3A_17 = tpu.memref_slice %arg2[%dma_start3A_15, %dma_start3A_16] : memref<100000x128xf32, #tpu.memory_space<hbm>> -> memref<100000x128xf32, #tpu.memory_space<hbm>>
    tpu.enqueue_indirect_dma source(%dma_start3A_17 : memref<100000x128xf32, #tpu.memory_space<hbm>>) target(%dma_start3A_12 : memref<128x128xf32, #tpu.memory_space<vmem>>) offsets(%dma_start3A_14 : memref<128xi32, #tpu.memory_space<vmem>>) semaphore(%arg10 : memref<!tpu.dma_semaphore, #tpu.memory_space<semaphore_mem>>)
    %dma_start3A_18 = arith.constant 256 : i32
    %dma_start3A_19 = arith.constant 0 : i32
    %dma_start3A_20 = tpu.memref_slice %arg9[%dma_start3A_18, %dma_start3A_19] : memref<512x128xf32, #tpu.memory_space<vmem>> -> memref<128x128xf32, #tpu.memory_space<vmem>>
    %dma_start3A_21 = arith.constant 256 : i32
    %dma_start3A_22 = tpu.memref_slice %arg7[%dma_start3A_21] : memref<512xi32, #tpu.memory_space<vmem>> -> memref<128xi32, #tpu.memory_space<vmem>>
    %dma_start3A_23 = arith.constant 0 : i32
    %dma_start3A_24 = arith.constant 0 : i32
    %dma_start3A_25 = tpu.memref_slice %arg2[%dma_start3A_23, %dma_start3A_24] : memref<100000x128xf32, #tpu.memory_space<hbm>> -> memref<100000x128xf32, #tpu.memory_space<hbm>>
    tpu.enqueue_indirect_dma source(%dma_start3A_25 : memref<100000x128xf32, #tpu.memory_space<hbm>>) target(%dma_start3A_20 : memref<128x128xf32, #tpu.memory_space<vmem>>) offsets(%dma_start3A_22 : memref<128xi32, #tpu.memory_space<vmem>>) semaphore(%arg10 : memref<!tpu.dma_semaphore, #tpu.memory_space<semaphore_mem>>)
    %dma_start3A_26 = arith.constant 384 : i32
    %dma_start3A_27 = arith.constant 0 : i32
    %dma_start3A_28 = tpu.memref_slice %arg9[%dma_start3A_26, %dma_start3A_27] : memref<512x128xf32, #tpu.memory_space<vmem>> -> memref<128x128xf32, #tpu.memory_space<vmem>>
    %dma_start3A_29 = arith.constant 384 : i32
    %dma_start3A_30 = tpu.memref_slice %arg7[%dma_start3A_29] : memref<512xi32, #tpu.memory_space<vmem>> -> memref<128xi32, #tpu.memory_space<vmem>>
    %dma_start3A_31 = arith.constant 0 : i32
    %dma_start3A_32 = arith.constant 0 : i32
    %dma_start3A_33 = tpu.memref_slice %arg2[%dma_start3A_31, %dma_start3A_32] : memref<100000x128xf32, #tpu.memory_space<hbm>> -> memref<100000x128xf32, #tpu.memory_space<hbm>>
    tpu.enqueue_indirect_dma source(%dma_start3A_33 : memref<100000x128xf32, #tpu.memory_space<hbm>>) target(%dma_start3A_28 : memref<128x128xf32, #tpu.memory_space<vmem>>) offsets(%dma_start3A_30 : memref<128xi32, #tpu.memory_space<vmem>>) semaphore(%arg10 : memref<!tpu.dma_semaphore, #tpu.memory_space<semaphore_mem>>)
    %dma_wait3A = arith.constant 0 : i32
    %dma_wait3A_34 = arith.constant 0 : i32
    %dma_wait3A_35 = tpu.memref_slice %arg9[%dma_wait3A, %dma_wait3A_34] : memref<512x128xf32, #tpu.memory_space<vmem>> -> memref<128x128xf32, #tpu.memory_space<vmem>>
    %dma_wait3A_36 = arith.constant 0 : i32
    %dma_wait3A_37 = tpu.memref_slice %arg7[%dma_wait3A_36] : memref<512xi32, #tpu.memory_space<vmem>> -> memref<128xi32, #tpu.memory_space<vmem>>
    %dma_wait3A_38 = arith.constant 0 : i32
    %dma_wait3A_39 = arith.constant 0 : i32
    %dma_wait3A_40 = tpu.memref_slice %arg2[%dma_wait3A_38, %dma_wait3A_39] : memref<100000x128xf32, #tpu.memory_space<hbm>> -> memref<100000x128xf32, #tpu.memory_space<hbm>>
    tpu.wait_indirect_dma semaphore(%arg10 : memref<!tpu.dma_semaphore, #tpu.memory_space<semaphore_mem>>) src(%dma_wait3A_40 : memref<100000x128xf32, #tpu.memory_space<hbm>>) dst(%dma_wait3A_35 : memref<128x128xf32, #tpu.memory_space<vmem>>)
    %dma_wait3A_41 = arith.constant 128 : i32
    %dma_wait3A_42 = arith.constant 0 : i32
    %dma_wait3A_43 = tpu.memref_slice %arg9[%dma_wait3A_41, %dma_wait3A_42] : memref<512x128xf32, #tpu.memory_space<vmem>> -> memref<128x128xf32, #tpu.memory_space<vmem>>
    %dma_wait3A_44 = arith.constant 128 : i32
    %dma_wait3A_45 = tpu.memref_slice %arg7[%dma_wait3A_44] : memref<512xi32, #tpu.memory_space<vmem>> -> memref<128xi32, #tpu.memory_space<vmem>>
    %dma_wait3A_46 = arith.constant 0 : i32
    %dma_wait3A_47 = arith.constant 0 : i32
    %dma_wait3A_48 = tpu.memref_slice %arg2[%dma_wait3A_46, %dma_wait3A_47] : memref<100000x128xf32, #tpu.memory_space<hbm>> -> memref<100000x128xf32, #tpu.memory_space<hbm>>
    tpu.wait_indirect_dma semaphore(%arg10 : memref<!tpu.dma_semaphore, #tpu.memory_space<semaphore_mem>>) src(%dma_wait3A_48 : memref<100000x128xf32, #tpu.memory_space<hbm>>) dst(%dma_wait3A_43 : memref<128x128xf32, #tpu.memory_space<vmem>>)
    %dma_wait3A_49 = arith.constant 256 : i32
    %dma_wait3A_50 = arith.constant 0 : i32
    %dma_wait3A_51 = tpu.memref_slice %arg9[%dma_wait3A_49, %dma_wait3A_50] : memref<512x128xf32, #tpu.memory_space<vmem>> -> memref<128x128xf32, #tpu.memory_space<vmem>>
    %dma_wait3A_52 = arith.constant 256 : i32
    %dma_wait3A_53 = tpu.memref_slice %arg7[%dma_wait3A_52] : memref<512xi32, #tpu.memory_space<vmem>> -> memref<128xi32, #tpu.memory_space<vmem>>
    %dma_wait3A_54 = arith.constant 0 : i32
    %dma_wait3A_55 = arith.constant 0 : i32
    %dma_wait3A_56 = tpu.memref_slice %arg2[%dma_wait3A_54, %dma_wait3A_55] : memref<100000x128xf32, #tpu.memory_space<hbm>> -> memref<100000x128xf32, #tpu.memory_space<hbm>>
    tpu.wait_indirect_dma semaphore(%arg10 : memref<!tpu.dma_semaphore, #tpu.memory_space<semaphore_mem>>) src(%dma_wait3A_56 : memref<100000x128xf32, #tpu.memory_space<hbm>>) dst(%dma_wait3A_51 : memref<128x128xf32, #tpu.memory_space<vmem>>)
    %dma_wait3A_57 = arith.constant 384 : i32
    %dma_wait3A_58 = arith.constant 0 : i32
    %dma_wait3A_59 = tpu.memref_slice %arg9[%dma_wait3A_57, %dma_wait3A_58] : memref<512x128xf32, #tpu.memory_space<vmem>> -> memref<128x128xf32, #tpu.memory_space<vmem>>
    %dma_wait3A_60 = arith.constant 384 : i32
    %dma_wait3A_61 = tpu.memref_slice %arg7[%dma_wait3A_60] : memref<512xi32, #tpu.memory_space<vmem>> -> memref<128xi32, #tpu.memory_space<vmem>>
    %dma_wait3A_62 = arith.constant 0 : i32
    %dma_wait3A_63 = arith.constant 0 : i32
    %dma_wait3A_64 = tpu.memref_slice %arg2[%dma_wait3A_62, %dma_wait3A_63] : memref<100000x128xf32, #tpu.memory_space<hbm>> -> memref<100000x128xf32, #tpu.memory_space<hbm>>
    tpu.wait_indirect_dma semaphore(%arg10 : memref<!tpu.dma_semaphore, #tpu.memory_space<semaphore_mem>>) src(%dma_wait3A_64 : memref<100000x128xf32, #tpu.memory_space<hbm>>) dst(%dma_wait3A_59 : memref<128x128xf32, #tpu.memory_space<vmem>>)
    "tpu.region"() ({
      %run_scoped3A = tpu.sem_alloc : memref<!tpu.dma_semaphore, #tpu.memory_space<semaphore_mem>>
      %dma_start3A_129 = arith.constant 0 : i32
      %dma_start3A_130 = tpu.memref_slice %arg5[%mul3A_2, %dma_start3A_129] : memref<16384x128xf32, #tpu.memory_space<hbm>> -> memref<512x128xf32, #tpu.memory_space<hbm>>
      %dma_start3A_131 = arith.constant 0 : i32
      %dma_start3A_132 = tpu.memref_slice %arg5[%mul3A_2, %dma_start3A_131] : memref<16384x128xf32, #tpu.memory_space<hbm>> -> memref<512x128xf32, #tpu.memory_space<hbm>>
      tpu.enqueue_dma source(%arg9 : memref<512x128xf32, #tpu.memory_space<vmem>>) target(%dma_start3A_132 : memref<512x128xf32, #tpu.memory_space<hbm>>) target_semaphore(%run_scoped3A : memref<!tpu.dma_semaphore, #tpu.memory_space<semaphore_mem>>)
      %dma_wait3A_133 = arith.constant 0 : i32
      %dma_wait3A_134 = tpu.memref_slice %arg5[%mul3A_2, %dma_wait3A_133] : memref<16384x128xf32, #tpu.memory_space<hbm>> -> memref<512x128xf32, #tpu.memory_space<hbm>>
      %dma_wait3A_135 = arith.constant 0 : i32
      %dma_wait3A_136 = tpu.memref_slice %arg5[%mul3A_2, %dma_wait3A_135] : memref<16384x128xf32, #tpu.memory_space<hbm>> -> memref<512x128xf32, #tpu.memory_space<hbm>>
      tpu.wait_dma2 semaphore(%run_scoped3A : memref<!tpu.dma_semaphore, #tpu.memory_space<semaphore_mem>>) src(%arg9 : memref<512x128xf32, #tpu.memory_space<vmem>>) dst(%dma_wait3A_136 : memref<512x128xf32, #tpu.memory_space<hbm>>)
      tpu.yield
    }) : () -> ()
    %dma_start3A_65 = arith.constant 0 : i32
    %dma_start3A_66 = arith.constant 0 : i32
    %dma_start3A_67 = tpu.memref_slice %arg9[%dma_start3A_65, %dma_start3A_66] : memref<512x128xf32, #tpu.memory_space<vmem>> -> memref<128x128xf32, #tpu.memory_space<vmem>>
    %dma_start3A_68 = arith.constant 0 : i32
    %dma_start3A_69 = tpu.memref_slice %arg8[%dma_start3A_68] : memref<512xi32, #tpu.memory_space<vmem>> -> memref<128xi32, #tpu.memory_space<vmem>>
    %dma_start3A_70 = arith.constant 0 : i32
    %dma_start3A_71 = arith.constant 0 : i32
    %dma_start3A_72 = tpu.memref_slice %arg2[%dma_start3A_70, %dma_start3A_71] : memref<100000x128xf32, #tpu.memory_space<hbm>> -> memref<100000x128xf32, #tpu.memory_space<hbm>>
    tpu.enqueue_indirect_dma source(%dma_start3A_72 : memref<100000x128xf32, #tpu.memory_space<hbm>>) target(%dma_start3A_67 : memref<128x128xf32, #tpu.memory_space<vmem>>) offsets(%dma_start3A_69 : memref<128xi32, #tpu.memory_space<vmem>>) semaphore(%arg10 : memref<!tpu.dma_semaphore, #tpu.memory_space<semaphore_mem>>)
    %dma_start3A_73 = arith.constant 128 : i32
    %dma_start3A_74 = arith.constant 0 : i32
    %dma_start3A_75 = tpu.memref_slice %arg9[%dma_start3A_73, %dma_start3A_74] : memref<512x128xf32, #tpu.memory_space<vmem>> -> memref<128x128xf32, #tpu.memory_space<vmem>>
    %dma_start3A_76 = arith.constant 128 : i32
    %dma_start3A_77 = tpu.memref_slice %arg8[%dma_start3A_76] : memref<512xi32, #tpu.memory_space<vmem>> -> memref<128xi32, #tpu.memory_space<vmem>>
    %dma_start3A_78 = arith.constant 0 : i32
    %dma_start3A_79 = arith.constant 0 : i32
    %dma_start3A_80 = tpu.memref_slice %arg2[%dma_start3A_78, %dma_start3A_79] : memref<100000x128xf32, #tpu.memory_space<hbm>> -> memref<100000x128xf32, #tpu.memory_space<hbm>>
    tpu.enqueue_indirect_dma source(%dma_start3A_80 : memref<100000x128xf32, #tpu.memory_space<hbm>>) target(%dma_start3A_75 : memref<128x128xf32, #tpu.memory_space<vmem>>) offsets(%dma_start3A_77 : memref<128xi32, #tpu.memory_space<vmem>>) semaphore(%arg10 : memref<!tpu.dma_semaphore, #tpu.memory_space<semaphore_mem>>)
    %dma_start3A_81 = arith.constant 256 : i32
    %dma_start3A_82 = arith.constant 0 : i32
    %dma_start3A_83 = tpu.memref_slice %arg9[%dma_start3A_81, %dma_start3A_82] : memref<512x128xf32, #tpu.memory_space<vmem>> -> memref<128x128xf32, #tpu.memory_space<vmem>>
    %dma_start3A_84 = arith.constant 256 : i32
    %dma_start3A_85 = tpu.memref_slice %arg8[%dma_start3A_84] : memref<512xi32, #tpu.memory_space<vmem>> -> memref<128xi32, #tpu.memory_space<vmem>>
    %dma_start3A_86 = arith.constant 0 : i32
    %dma_start3A_87 = arith.constant 0 : i32
    %dma_start3A_88 = tpu.memref_slice %arg2[%dma_start3A_86, %dma_start3A_87] : memref<100000x128xf32, #tpu.memory_space<hbm>> -> memref<100000x128xf32, #tpu.memory_space<hbm>>
    tpu.enqueue_indirect_dma source(%dma_start3A_88 : memref<100000x128xf32, #tpu.memory_space<hbm>>) target(%dma_start3A_83 : memref<128x128xf32, #tpu.memory_space<vmem>>) offsets(%dma_start3A_85 : memref<128xi32, #tpu.memory_space<vmem>>) semaphore(%arg10 : memref<!tpu.dma_semaphore, #tpu.memory_space<semaphore_mem>>)
    %dma_start3A_89 = arith.constant 384 : i32
    %dma_start3A_90 = arith.constant 0 : i32
    %dma_start3A_91 = tpu.memref_slice %arg9[%dma_start3A_89, %dma_start3A_90] : memref<512x128xf32, #tpu.memory_space<vmem>> -> memref<128x128xf32, #tpu.memory_space<vmem>>
    %dma_start3A_92 = arith.constant 384 : i32
    %dma_start3A_93 = tpu.memref_slice %arg8[%dma_start3A_92] : memref<512xi32, #tpu.memory_space<vmem>> -> memref<128xi32, #tpu.memory_space<vmem>>
    %dma_start3A_94 = arith.constant 0 : i32
    %dma_start3A_95 = arith.constant 0 : i32
    %dma_start3A_96 = tpu.memref_slice %arg2[%dma_start3A_94, %dma_start3A_95] : memref<100000x128xf32, #tpu.memory_space<hbm>> -> memref<100000x128xf32, #tpu.memory_space<hbm>>
    tpu.enqueue_indirect_dma source(%dma_start3A_96 : memref<100000x128xf32, #tpu.memory_space<hbm>>) target(%dma_start3A_91 : memref<128x128xf32, #tpu.memory_space<vmem>>) offsets(%dma_start3A_93 : memref<128xi32, #tpu.memory_space<vmem>>) semaphore(%arg10 : memref<!tpu.dma_semaphore, #tpu.memory_space<semaphore_mem>>)
    %dma_wait3A_97 = arith.constant 0 : i32
    %dma_wait3A_98 = arith.constant 0 : i32
    %dma_wait3A_99 = tpu.memref_slice %arg9[%dma_wait3A_97, %dma_wait3A_98] : memref<512x128xf32, #tpu.memory_space<vmem>> -> memref<128x128xf32, #tpu.memory_space<vmem>>
    %dma_wait3A_100 = arith.constant 0 : i32
    %dma_wait3A_101 = tpu.memref_slice %arg8[%dma_wait3A_100] : memref<512xi32, #tpu.memory_space<vmem>> -> memref<128xi32, #tpu.memory_space<vmem>>
    %dma_wait3A_102 = arith.constant 0 : i32
    %dma_wait3A_103 = arith.constant 0 : i32
    %dma_wait3A_104 = tpu.memref_slice %arg2[%dma_wait3A_102, %dma_wait3A_103] : memref<100000x128xf32, #tpu.memory_space<hbm>> -> memref<100000x128xf32, #tpu.memory_space<hbm>>
    tpu.wait_indirect_dma semaphore(%arg10 : memref<!tpu.dma_semaphore, #tpu.memory_space<semaphore_mem>>) src(%dma_wait3A_104 : memref<100000x128xf32, #tpu.memory_space<hbm>>) dst(%dma_wait3A_99 : memref<128x128xf32, #tpu.memory_space<vmem>>)
    %dma_wait3A_105 = arith.constant 128 : i32
    %dma_wait3A_106 = arith.constant 0 : i32
    %dma_wait3A_107 = tpu.memref_slice %arg9[%dma_wait3A_105, %dma_wait3A_106] : memref<512x128xf32, #tpu.memory_space<vmem>> -> memref<128x128xf32, #tpu.memory_space<vmem>>
    %dma_wait3A_108 = arith.constant 128 : i32
    %dma_wait3A_109 = tpu.memref_slice %arg8[%dma_wait3A_108] : memref<512xi32, #tpu.memory_space<vmem>> -> memref<128xi32, #tpu.memory_space<vmem>>
    %dma_wait3A_110 = arith.constant 0 : i32
    %dma_wait3A_111 = arith.constant 0 : i32
    %dma_wait3A_112 = tpu.memref_slice %arg2[%dma_wait3A_110, %dma_wait3A_111] : memref<100000x128xf32, #tpu.memory_space<hbm>> -> memref<100000x128xf32, #tpu.memory_space<hbm>>
    tpu.wait_indirect_dma semaphore(%arg10 : memref<!tpu.dma_semaphore, #tpu.memory_space<semaphore_mem>>) src(%dma_wait3A_112 : memref<100000x128xf32, #tpu.memory_space<hbm>>) dst(%dma_wait3A_107 : memref<128x128xf32, #tpu.memory_space<vmem>>)
    %dma_wait3A_113 = arith.constant 256 : i32
    %dma_wait3A_114 = arith.constant 0 : i32
    %dma_wait3A_115 = tpu.memref_slice %arg9[%dma_wait3A_113, %dma_wait3A_114] : memref<512x128xf32, #tpu.memory_space<vmem>> -> memref<128x128xf32, #tpu.memory_space<vmem>>
    %dma_wait3A_116 = arith.constant 256 : i32
    %dma_wait3A_117 = tpu.memref_slice %arg8[%dma_wait3A_116] : memref<512xi32, #tpu.memory_space<vmem>> -> memref<128xi32, #tpu.memory_space<vmem>>
    %dma_wait3A_118 = arith.constant 0 : i32
    %dma_wait3A_119 = arith.constant 0 : i32
    %dma_wait3A_120 = tpu.memref_slice %arg2[%dma_wait3A_118, %dma_wait3A_119] : memref<100000x128xf32, #tpu.memory_space<hbm>> -> memref<100000x128xf32, #tpu.memory_space<hbm>>
    tpu.wait_indirect_dma semaphore(%arg10 : memref<!tpu.dma_semaphore, #tpu.memory_space<semaphore_mem>>) src(%dma_wait3A_120 : memref<100000x128xf32, #tpu.memory_space<hbm>>) dst(%dma_wait3A_115 : memref<128x128xf32, #tpu.memory_space<vmem>>)
    %dma_wait3A_121 = arith.constant 384 : i32
    %dma_wait3A_122 = arith.constant 0 : i32
    %dma_wait3A_123 = tpu.memref_slice %arg9[%dma_wait3A_121, %dma_wait3A_122] : memref<512x128xf32, #tpu.memory_space<vmem>> -> memref<128x128xf32, #tpu.memory_space<vmem>>
    %dma_wait3A_124 = arith.constant 384 : i32
    %dma_wait3A_125 = tpu.memref_slice %arg8[%dma_wait3A_124] : memref<512xi32, #tpu.memory_space<vmem>> -> memref<128xi32, #tpu.memory_space<vmem>>
    %dma_wait3A_126 = arith.constant 0 : i32
    %dma_wait3A_127 = arith.constant 0 : i32
    %dma_wait3A_128 = tpu.memref_slice %arg2[%dma_wait3A_126, %dma_wait3A_127] : memref<100000x128xf32, #tpu.memory_space<hbm>> -> memref<100000x128xf32, #tpu.memory_space<hbm>>
    tpu.wait_indirect_dma semaphore(%arg10 : memref<!tpu.dma_semaphore, #tpu.memory_space<semaphore_mem>>) src(%dma_wait3A_128 : memref<100000x128xf32, #tpu.memory_space<hbm>>) dst(%dma_wait3A_123 : memref<128x128xf32, #tpu.memory_space<vmem>>)
    "tpu.region"() ({
      %run_scoped3A = tpu.sem_alloc : memref<!tpu.dma_semaphore, #tpu.memory_space<semaphore_mem>>
      %dma_start3A_129 = arith.constant 0 : i32
      %dma_start3A_130 = tpu.memref_slice %arg6[%mul3A_2, %dma_start3A_129] : memref<16384x128xf32, #tpu.memory_space<hbm>> -> memref<512x128xf32, #tpu.memory_space<hbm>>
      %dma_start3A_131 = arith.constant 0 : i32
      %dma_start3A_132 = tpu.memref_slice %arg6[%mul3A_2, %dma_start3A_131] : memref<16384x128xf32, #tpu.memory_space<hbm>> -> memref<512x128xf32, #tpu.memory_space<hbm>>
      tpu.enqueue_dma source(%arg9 : memref<512x128xf32, #tpu.memory_space<vmem>>) target(%dma_start3A_132 : memref<512x128xf32, #tpu.memory_space<hbm>>) target_semaphore(%run_scoped3A : memref<!tpu.dma_semaphore, #tpu.memory_space<semaphore_mem>>)
      %dma_wait3A_133 = arith.constant 0 : i32
      %dma_wait3A_134 = tpu.memref_slice %arg6[%mul3A_2, %dma_wait3A_133] : memref<16384x128xf32, #tpu.memory_space<hbm>> -> memref<512x128xf32, #tpu.memory_space<hbm>>
      %dma_wait3A_135 = arith.constant 0 : i32
      %dma_wait3A_136 = tpu.memref_slice %arg6[%mul3A_2, %dma_wait3A_135] : memref<16384x128xf32, #tpu.memory_space<hbm>> -> memref<512x128xf32, #tpu.memory_space<hbm>>
      tpu.wait_dma2 semaphore(%run_scoped3A : memref<!tpu.dma_semaphore, #tpu.memory_space<semaphore_mem>>) src(%arg9 : memref<512x128xf32, #tpu.memory_space<vmem>>) dst(%dma_wait3A_136 : memref<512x128xf32, #tpu.memory_space<hbm>>)
      tpu.yield
    }) : () -> ()
    return
  }
}

module attributes {stable_mosaic.version = 14 : i64} {
  func.func @_comb_body(%arg0: i32, %arg1: memref<2x8192xf32, #tpu.memory_space<vmem>>, %arg2: memref<40x8192xf32, #tpu.memory_space<vmem>>, %arg3: memref<8192x128xf32, #tpu.memory_space<vmem>>) attributes {dimension_semantics = [#tpu.dimension_semantics<arbitrary>], iteration_bounds = array<i64: 13>, scalar_prefetch = 0 : i64, scratch_operands = 0 : i64, tpu.core_type = #tpu.core_type<tc>, window_params = [{transform_indices = @transform_0, window_bounds = array<i64: 2, 8192>}, {transform_indices = @transform_1, window_bounds = array<i64: 40, 8192>}, {transform_indices = @transform_2, window_bounds = array<i64: 8192, 128>}]} {
    %get3A = arith.constant 0 : index
    %get3A_0 = arith.constant 0 : index
    %get3A_1 = vector.load %arg2[%get3A, %get3A_0] : memref<40x8192xf32, #tpu.memory_space<vmem>>, vector<40x8192xf32>
    %transpose3A = tpu.transpose %get3A_1, [1, 0] : vector<40x8192xf32> -> vector<8192x40xf32>
    %get3A_2 = arith.constant 0 : index
    %get3A_3 = arith.constant 0 : index
    %get3A_4 = vector.load %arg1[%get3A_2, %get3A_3] : memref<2x8192xf32, #tpu.memory_space<vmem>>, vector<2x8192xf32>
    %transpose3A_5 = tpu.transpose %get3A_4, [1, 0] : vector<2x8192xf32> -> vector<8192x2xf32>
    %broadcast_in_dim3A = arith.constant 0.000000e+00 : f32
    %broadcast_in_dim3A_6 = vector.broadcast %broadcast_in_dim3A : f32 to vector<8192x86xf32>
    %concatenate3A = tpu.concatenate %transpose3A, %transpose3A_5, %broadcast_in_dim3A_6 in 1 : vector<8192x40xf32>, vector<8192x2xf32>, vector<8192x86xf32> -> vector<8192x128xf32>
    %swap3A = arith.constant 0 : index
    %swap3A_7 = arith.constant 0 : index
    %swap3A_8 = vector.load %arg3[%swap3A, %swap3A_7] : memref<8192x128xf32, #tpu.memory_space<vmem>>, vector<8192x128xf32>
    tpu.vector_store %arg3[%swap3A, %swap3A_7], %concatenate3A {strides = array<i32>} : memref<8192x128xf32, #tpu.memory_space<vmem>>, vector<8192x128xf32>,
    return
  }
  func.func @transform_0(%arg0: i32) -> (i32, i32) {
    %c0_i32 = arith.constant 0 : i32
    %c0_i32_0 = arith.constant 0 : i32
    return %c0_i32, %arg0 : i32, i32
  }
  func.func @transform_1(%arg0: i32) -> (i32, i32) {
    %c0_i32 = arith.constant 0 : i32
    %c0_i32_0 = arith.constant 0 : i32
    return %c0_i32, %arg0 : i32, i32
  }
  func.func @transform_2(%arg0: i32) -> (i32, i32) {
    %c0_i32 = arith.constant 0 : i32
    %c0_i32_0 = arith.constant 0 : i32
    return %arg0, %c0_i32 : i32, i32
  }
}

module attributes {stable_mosaic.version = 14 : i64} {
  func.func @_kl_body(%arg0: i32, %arg1: memref<8xf32, #tpu.memory_space<smem>>, %arg2: memref<20x1xf32, #tpu.memory_space<vmem>>, %arg3: memref<20x1xf32, #tpu.memory_space<vmem>>, %arg4: memref<2x8192xf32, #tpu.memory_space<vmem>>, %arg5: memref<40x8192xf32, #tpu.memory_space<vmem>>, %arg6: memref<8192xf32, #tpu.memory_space<vmem>>, %arg7: memref<8192xf32, #tpu.memory_space<vmem>>, %arg8: memref<1x1xf32, #tpu.memory_space<vmem>>, %arg9: memref<1x1xf32, #tpu.memory_space<vmem>>) attributes {dimension_semantics = [#tpu.dimension_semantics<arbitrary>], iteration_bounds = array<i64: 13>, scalar_prefetch = 0 : i64, scratch_operands = 0 : i64, tpu.core_type = #tpu.core_type<tc>, window_params = [{transform_indices = @transform_0, window_bounds = array<i64: 8>}, {pipeline_mode = #tpu.pipeline_mode<synchronous>, transform_indices = @transform_1, window_bounds = array<i64: 20, 1>}, {pipeline_mode = #tpu.pipeline_mode<synchronous>, transform_indices = @transform_2, window_bounds = array<i64: 20, 1>}, {transform_indices = @transform_3, window_bounds = array<i64: 2, 8192>}, {transform_indices = @transform_4, window_bounds = array<i64: 40, 8192>}, {transform_indices = @transform_5, window_bounds = array<i64: 8192>}, {transform_indices = @transform_6, window_bounds = array<i64: 8192>}, {pipeline_mode = #tpu.pipeline_mode<synchronous>, transform_indices = @transform_7, window_bounds = array<i64: 1, 1>}, {pipeline_mode = #tpu.pipeline_mode<synchronous>, transform_indices = @transform_8, window_bounds = array<i64: 1, 1>}]} {
    %get3A = arith.constant 0 : index
    %get3A_0 = memref.load %arg1[%get3A] : memref<8xf32, #tpu.memory_space<smem>>
    %get3A_1 = arith.constant 1 : index
    %get3A_2 = memref.load %arg1[%get3A_1] : memref<8xf32, #tpu.memory_space<smem>>
    %get3A_3 = arith.constant 2 : index
    %get3A_4 = memref.load %arg1[%get3A_3] : memref<8xf32, #tpu.memory_space<smem>>
    %get3A_5 = arith.constant 3 : index
    %get3A_6 = memref.load %arg1[%get3A_5] : memref<8xf32, #tpu.memory_space<smem>>
    %get3A_7 = arith.constant 4 : index
    %get3A_8 = memref.load %arg1[%get3A_7] : memref<8xf32, #tpu.memory_space<smem>>
    %get3A_9 = arith.constant 5 : index
    %get3A_10 = memref.load %arg1[%get3A_9] : memref<8xf32, #tpu.memory_space<smem>>
    %custom_jvp_call3A = arith.constant 0.000000e+00 : f32
    %max3A = arith.maximumf %get3A_4, %custom_jvp_call3A : f32
    %sub3A = arith.subf %get3A_4, %custom_jvp_call3A : f32
    %ne3A = arith.cmpf one, %sub3A, %sub3A : f32
    %add3A = arith.addf %get3A_4, %custom_jvp_call3A : f32
    %abs3A = math.absf %sub3A : f32
    %neg3A = arith.constant 0.000000e+00 : f32
    %neg3A_11 = arith.subf %neg3A, %abs3A : f32
    %exp3A = math.exp %neg3A_11 : f32
    %log1p3A = math.log1p %exp3A : f32
    %add3A_12 = arith.addf %max3A, %log1p3A : f32
    %select_n3A = arith.select %ne3A, %add3A, %add3A_12 : f32
    %custom_jvp_call3A_13 = arith.constant 0.000000e+00 : f32
    %max3A_14 = arith.maximumf %get3A_6, %custom_jvp_call3A_13 : f32
    %sub3A_15 = arith.subf %get3A_6, %custom_jvp_call3A_13 : f32
    %ne3A_16 = arith.cmpf one, %sub3A_15, %sub3A_15 : f32
    %add3A_17 = arith.addf %get3A_6, %custom_jvp_call3A_13 : f32
    %abs3A_18 = math.absf %sub3A_15 : f32
    %neg3A_19 = arith.constant 0.000000e+00 : f32
    %neg3A_20 = arith.subf %neg3A_19, %abs3A_18 : f32
    %exp3A_21 = math.exp %neg3A_20 : f32
    %log1p3A_22 = math.log1p %exp3A_21 : f32
    %add3A_23 = arith.addf %max3A_14, %log1p3A_22 : f32
    %select_n3A_24 = arith.select %ne3A_16, %add3A_17, %add3A_23 : f32
    %div3A = arith.divf %select_n3A_24, %select_n3A : f32
    %log3A = math.log %div3A : f32
    %mul3A = arith.mulf %select_n3A, %select_n3A : f32
    %mul3A_25 = arith.mulf %get3A_2, %get3A_2 : f32
    %add3A_26 = arith.addf %mul3A, %mul3A_25 : f32
    %mul3A_27 = arith.constant 2.000000e+00 : f32
    %mul3A_28 = arith.mulf %mul3A_27, %select_n3A_24 : f32
    %mul3A_29 = arith.mulf %mul3A_28, %select_n3A_24 : f32
    %div3A_30 = arith.divf %add3A_26, %mul3A_29 : f32
    %add3A_31 = arith.addf %log3A, %div3A_30 : f32
    %sub3A_32 = arith.constant 5.000000e-01 : f32
    %sub3A_33 = arith.subf %add3A_31, %sub3A_32 : f32
    %broadcast_in_dim3A = vector.broadcast %sub3A_33 : f32 to vector<1x1xf32>
    %swap3A = arith.constant 0 : index
    %swap3A_34 = arith.constant 0 : index
    %swap3A_35 = vector.load %arg8[%swap3A, %swap3A_34] : memref<1x1xf32, #tpu.memory_space<vmem>>, vector<1x1xf32>
    tpu.vector_store %arg8[%swap3A, %swap3A_34], %broadcast_in_dim3A {strides = array<i32>} : memref<1x1xf32, #tpu.memory_space<vmem>>, vector<1x1xf32>,
    %custom_jvp_call3A_36 = arith.constant 0.000000e+00 : f32
    %max3A_37 = arith.maximumf %get3A_0, %custom_jvp_call3A_36 : f32
    %sub3A_38 = arith.subf %get3A_0, %custom_jvp_call3A_36 : f32
    %ne3A_39 = arith.cmpf one, %sub3A_38, %sub3A_38 : f32
    %add3A_40 = arith.addf %get3A_0, %custom_jvp_call3A_36 : f32
    %abs3A_41 = math.absf %sub3A_38 : f32
    %neg3A_42 = arith.constant 0.000000e+00 : f32
    %neg3A_43 = arith.subf %neg3A_42, %abs3A_41 : f32
    %exp3A_44 = math.exp %neg3A_43 : f32
    %log1p3A_45 = math.log1p %exp3A_44 : f32
    %add3A_46 = arith.addf %max3A_37, %log1p3A_45 : f32
    %select_n3A_47 = arith.select %ne3A_39, %add3A_40, %add3A_46 : f32
    %div3A_48 = arith.constant 1.000000e+00 : f32
    %div3A_49 = arith.divf %div3A_48, %select_n3A_47 : f32
    %sqrt3A = math.sqrt %div3A_49 : f32
    %broadcast_in_dim3A_50 = vector.broadcast %sqrt3A : f32 to vector<1x1xf32>
    %swap3A_51 = arith.constant 0 : index
    %swap3A_52 = arith.constant 0 : index
    %swap3A_53 = vector.load %arg9[%swap3A_51, %swap3A_52] : memref<1x1xf32, #tpu.memory_space<vmem>>, vector<1x1xf32>
    tpu.vector_store %arg9[%swap3A_51, %swap3A_52], %broadcast_in_dim3A_50 {strides = array<i32>} : memref<1x1xf32, #tpu.memory_space<vmem>>, vector<1x1xf32>,
    %mul3A_54 = arith.constant 8192 : i32
    %mul3A_55 = arith.muli %arg0, %mul3A_54 : i32
    %iota3A = tpu.iota {dimensions = array<i32: 1>} : vector<1x8192xi32>
    %add3A_56 = vector.broadcast %mul3A_55 : i32 to vector<1x8192xi32>
    %add3A_57 = arith.addi %add3A_56, %iota3A : vector<1x8192xi32>
    %lt3A = arith.constant 50000 : i32
    %lt3A_58 = vector.broadcast %lt3A : i32 to vector<1x8192xi32>
    %lt3A_59 = arith.cmpi slt, %add3A_57, %lt3A_58 : vector<1x8192xi32>
    %get3A_60 = arith.constant 0 : index
    %get3A_61 = arith.constant 0 : index
    %get3A_62 = vector.load %arg4[%get3A_60, %get3A_61] : memref<2x8192xf32, #tpu.memory_space<vmem>>, vector<1x8192xf32>
    %get3A_63 = arith.constant 1 : index
    %get3A_64 = arith.constant 0 : index
    %get3A_65 = vector.load %arg4[%get3A_63, %get3A_64] : memref<2x8192xf32, #tpu.memory_space<vmem>>, vector<1x8192xf32>
    %custom_jvp_call3A_66 = arith.constant 0.000000e+00 : f32
    %max3A_67 = vector.broadcast %custom_jvp_call3A_66 : f32 to vector<1x8192xf32>
    %max3A_68 = arith.maximumf %get3A_65, %max3A_67 : vector<1x8192xf32>
    %sub3A_69 = vector.broadcast %custom_jvp_call3A_66 : f32 to vector<1x8192xf32>
    %sub3A_70 = arith.subf %get3A_65, %sub3A_69 : vector<1x8192xf32>
    %ne3A_71 = arith.cmpf one, %sub3A_70, %sub3A_70 : vector<1x8192xf32>
    %add3A_72 = vector.broadcast %custom_jvp_call3A_66 : f32 to vector<1x8192xf32>
    %add3A_73 = arith.addf %get3A_65, %add3A_72 : vector<1x8192xf32>
    %abs3A_74 = math.absf %sub3A_70 : vector<1x8192xf32>
    %neg3A_75 = arith.constant 0.000000e+00 : f32
    %neg3A_76 = vector.broadcast %neg3A_75 : f32 to vector<1x8192xf32>
    %neg3A_77 = arith.subf %neg3A_76, %abs3A_74 : vector<1x8192xf32>
    %exp3A_78 = math.exp %neg3A_77 : vector<1x8192xf32>
    %log1p3A_79 = math.log1p %exp3A_78 : vector<1x8192xf32>
    %add3A_80 = arith.addf %max3A_68, %log1p3A_79 : vector<1x8192xf32>
    %select_n3A_81 = arith.select %ne3A_71, %add3A_73, %add3A_80 : vector<1x8192xi1>, vector<1x8192xf32>
    %custom_jvp_call3A_82 = arith.constant 0.000000e+00 : f32
    %max3A_83 = arith.maximumf %get3A_8, %custom_jvp_call3A_82 : f32
    %sub3A_84 = arith.subf %get3A_8, %custom_jvp_call3A_82 : f32
    %ne3A_85 = arith.cmpf one, %sub3A_84, %sub3A_84 : f32
    %add3A_86 = arith.addf %get3A_8, %custom_jvp_call3A_82 : f32
    %abs3A_87 = math.absf %sub3A_84 : f32
    %neg3A_88 = arith.constant 0.000000e+00 : f32
    %neg3A_89 = arith.subf %neg3A_88, %abs3A_87 : f32
    %exp3A_90 = math.exp %neg3A_89 : f32
    %log1p3A_91 = math.log1p %exp3A_90 : f32
    %add3A_92 = arith.addf %max3A_83, %log1p3A_91 : f32
    %select_n3A_93 = arith.select %ne3A_85, %add3A_86, %add3A_92 : f32
    %custom_jvp_call3A_94 = arith.constant 0.000000e+00 : f32
    %max3A_95 = arith.maximumf %get3A_10, %custom_jvp_call3A_94 : f32
    %sub3A_96 = arith.subf %get3A_10, %custom_jvp_call3A_94 : f32
    %ne3A_97 = arith.cmpf one, %sub3A_96, %sub3A_96 : f32
    %add3A_98 = arith.addf %get3A_10, %custom_jvp_call3A_94 : f32
    %abs3A_99 = math.absf %sub3A_96 : f32
    %neg3A_100 = arith.constant 0.000000e+00 : f32
    %neg3A_101 = arith.subf %neg3A_100, %abs3A_99 : f32
    %exp3A_102 = math.exp %neg3A_101 : f32
    %log1p3A_103 = math.log1p %exp3A_102 : f32
    %add3A_104 = arith.addf %max3A_95, %log1p3A_103 : f32
    %select_n3A_105 = arith.select %ne3A_97, %add3A_98, %add3A_104 : f32
    %log3A_106 = math.log %select_n3A_93 : f32
    %log3A_107 = math.log %select_n3A_105 : f32
    %broadcast_in_dim3A_108 = vector.broadcast %log3A_106 : f32 to vector<1x8192xf32>
    %broadcast_in_dim3A_109 = vector.broadcast %log3A_107 : f32 to vector<1x8192xf32>
    %select_n3A_110 = arith.select %lt3A_59, %broadcast_in_dim3A_108, %broadcast_in_dim3A_109 : vector<1x8192xi1>, vector<1x8192xf32>
    %mul3A_111 = arith.constant 2.000000e+00 : f32
    %mul3A_112 = arith.mulf %mul3A_111, %select_n3A_93 : f32
    %mul3A_113 = arith.mulf %mul3A_112, %select_n3A_93 : f32
    %div3A_114 = arith.constant 1.000000e+00 : f32
    %div3A_115 = arith.divf %div3A_114, %mul3A_113 : f32
    %mul3A_116 = arith.constant 2.000000e+00 : f32
    %mul3A_117 = arith.mulf %mul3A_116, %select_n3A_105 : f32
    %mul3A_118 = arith.mulf %mul3A_117, %select_n3A_105 : f32
    %div3A_119 = arith.constant 1.000000e+00 : f32
    %div3A_120 = arith.divf %div3A_119, %mul3A_118 : f32
    %broadcast_in_dim3A_121 = vector.broadcast %div3A_115 : f32 to vector<1x8192xf32>
    %broadcast_in_dim3A_122 = vector.broadcast %div3A_120 : f32 to vector<1x8192xf32>
    %select_n3A_123 = arith.select %lt3A_59, %broadcast_in_dim3A_121, %broadcast_in_dim3A_122 : vector<1x8192xi1>, vector<1x8192xf32>
    %log3A_124 = math.log %select_n3A_81 : vector<1x8192xf32>
    %sub3A_125 = arith.subf %select_n3A_110, %log3A_124 : vector<1x8192xf32>
    %mul3A_126 = arith.mulf %select_n3A_81, %select_n3A_81 : vector<1x8192xf32>
    %mul3A_127 = arith.mulf %get3A_62, %get3A_62 : vector<1x8192xf32>
    %add3A_128 = arith.addf %mul3A_126, %mul3A_127 : vector<1x8192xf32>
    %mul3A_129 = arith.mulf %add3A_128, %select_n3A_123 : vector<1x8192xf32>
    %add3A_130 = arith.addf %sub3A_125, %mul3A_129 : vector<1x8192xf32>
    %sub3A_131 = arith.constant 5.000000e-01 : f32
    %sub3A_132 = vector.broadcast %sub3A_131 : f32 to vector<1x8192xf32>
    %sub3A_133 = arith.subf %add3A_130, %sub3A_132 : vector<1x8192xf32>
    %reshape3A = vector.shape_cast %sub3A_133 : vector<1x8192xf32> to vector<8192xf32>
    %swap3A_134 = arith.constant 0 : index
    %swap3A_135 = vector.load %arg6[%swap3A_134] : memref<8192xf32, #tpu.memory_space<vmem>>, vector<8192xf32>
    tpu.vector_store %arg6[%swap3A_134], %reshape3A {strides = array<i32>} : memref<8192xf32, #tpu.memory_space<vmem>>, vector<8192xf32>,
    %get3A_136 = arith.constant 0 : index
    %get3A_137 = arith.constant 0 : index
    %get3A_138 = vector.load %arg5[%get3A_136, %get3A_137] : memref<40x8192xf32, #tpu.memory_space<vmem>>, vector<20x8192xf32>
    %get3A_139 = arith.constant 20 : index
    %get3A_140 = arith.constant 0 : index
    %get3A_141 = vector.load %arg5[%get3A_139, %get3A_140] : memref<40x8192xf32, #tpu.memory_space<vmem>>, vector<20x8192xf32>
    %custom_jvp_call3A_142 = arith.constant 0.000000e+00 : f32
    %max3A_143 = vector.broadcast %custom_jvp_call3A_142 : f32 to vector<20x8192xf32>
    %max3A_144 = arith.maximumf %get3A_141, %max3A_143 : vector<20x8192xf32>
    %sub3A_145 = vector.broadcast %custom_jvp_call3A_142 : f32 to vector<20x8192xf32>
    %sub3A_146 = arith.subf %get3A_141, %sub3A_145 : vector<20x8192xf32>
    %ne3A_147 = arith.cmpf one, %sub3A_146, %sub3A_146 : vector<20x8192xf32>
    %add3A_148 = vector.broadcast %custom_jvp_call3A_142 : f32 to vector<20x8192xf32>
    %add3A_149 = arith.addf %get3A_141, %add3A_148 : vector<20x8192xf32>
    %abs3A_150 = math.absf %sub3A_146 : vector<20x8192xf32>
    %neg3A_151 = arith.constant 0.000000e+00 : f32
    %neg3A_152 = vector.broadcast %neg3A_151 : f32 to vector<20x8192xf32>
    %neg3A_153 = arith.subf %neg3A_152, %abs3A_150 : vector<20x8192xf32>
    %exp3A_154 = math.exp %neg3A_153 : vector<20x8192xf32>
    %log1p3A_155 = math.log1p %exp3A_154 : vector<20x8192xf32>
    %add3A_156 = arith.addf %max3A_144, %log1p3A_155 : vector<20x8192xf32>
    %select_n3A_157 = arith.select %ne3A_147, %add3A_149, %add3A_156 : vector<20x8192xi1>, vector<20x8192xf32>
    %get3A_158 = arith.constant 0 : index
    %get3A_159 = arith.constant 0 : index
    %get3A_160 = vector.load %arg2[%get3A_158, %get3A_159] : memref<20x1xf32, #tpu.memory_space<vmem>>, vector<20x1xf32>
    %custom_jvp_call3A_161 = arith.constant 0.000000e+00 : f32
    %max3A_162 = vector.broadcast %custom_jvp_call3A_161 : f32 to vector<20x1xf32>
    %max3A_163 = arith.maximumf %get3A_160, %max3A_162 : vector<20x1xf32>
    %sub3A_164 = vector.broadcast %custom_jvp_call3A_161 : f32 to vector<20x1xf32>
    %sub3A_165 = arith.subf %get3A_160, %sub3A_164 : vector<20x1xf32>
    %ne3A_166 = arith.cmpf one, %sub3A_165, %sub3A_165 : vector<20x1xf32>
    %add3A_167 = vector.broadcast %custom_jvp_call3A_161 : f32 to vector<20x1xf32>
    %add3A_168 = arith.addf %get3A_160, %add3A_167 : vector<20x1xf32>
    %abs3A_169 = math.absf %sub3A_165 : vector<20x1xf32>
    %neg3A_170 = arith.constant 0.000000e+00 : f32
    %neg3A_171 = vector.broadcast %neg3A_170 : f32 to vector<20x1xf32>
    %neg3A_172 = arith.subf %neg3A_171, %abs3A_169 : vector<20x1xf32>
    %exp3A_173 = math.exp %neg3A_172 : vector<20x1xf32>
    %log1p3A_174 = math.log1p %exp3A_173 : vector<20x1xf32>
    %add3A_175 = arith.addf %max3A_163, %log1p3A_174 : vector<20x1xf32>
    %select_n3A_176 = arith.select %ne3A_166, %add3A_168, %add3A_175 : vector<20x1xi1>, vector<20x1xf32>
    %get3A_177 = arith.constant 0 : index
    %get3A_178 = arith.constant 0 : index
    %get3A_179 = vector.load %arg3[%get3A_177, %get3A_178] : memref<20x1xf32, #tpu.memory_space<vmem>>, vector<20x1xf32>
    %custom_jvp_call3A_180 = arith.constant 0.000000e+00 : f32
    %max3A_181 = vector.broadcast %custom_jvp_call3A_180 : f32 to vector<20x1xf32>
    %max3A_182 = arith.maximumf %get3A_179, %max3A_181 : vector<20x1xf32>
    %sub3A_183 = vector.broadcast %custom_jvp_call3A_180 : f32 to vector<20x1xf32>
    %sub3A_184 = arith.subf %get3A_179, %sub3A_183 : vector<20x1xf32>
    %ne3A_185 = arith.cmpf one, %sub3A_184, %sub3A_184 : vector<20x1xf32>
    %add3A_186 = vector.broadcast %custom_jvp_call3A_180 : f32 to vector<20x1xf32>
    %add3A_187 = arith.addf %get3A_179, %add3A_186 : vector<20x1xf32>
    %abs3A_188 = math.absf %sub3A_184 : vector<20x1xf32>
    %neg3A_189 = arith.constant 0.000000e+00 : f32
    %neg3A_190 = vector.broadcast %neg3A_189 : f32 to vector<20x1xf32>
    %neg3A_191 = arith.subf %neg3A_190, %abs3A_188 : vector<20x1xf32>
    %exp3A_192 = math.exp %neg3A_191 : vector<20x1xf32>
    %log1p3A_193 = math.log1p %exp3A_192 : vector<20x1xf32>
    %add3A_194 = arith.addf %max3A_182, %log1p3A_193 : vector<20x1xf32>
    %select_n3A_195 = arith.select %ne3A_185, %add3A_187, %add3A_194 : vector<20x1xi1>, vector<20x1xf32>
    %mul3A_196 = arith.constant 2.000000e+00 : f32
    %mul3A_197 = vector.broadcast %mul3A_196 : f32 to vector<20x1xf32>
    %mul3A_198 = arith.mulf %mul3A_197, %select_n3A_176 : vector<20x1xf32>
    %mul3A_199 = arith.mulf %mul3A_198, %select_n3A_176 : vector<20x1xf32>
    %div3A_200 = arith.constant 1.000000e+00 : f32
    %div3A_201 = vector.broadcast %div3A_200 : f32 to vector<20x1xf32>
    %div3A_202 = arith.divf %div3A_201, %mul3A_199 : vector<20x1xf32>
    %mul3A_203 = arith.constant 2.000000e+00 : f32
    %mul3A_204 = vector.broadcast %mul3A_203 : f32 to vector<20x1xf32>
    %mul3A_205 = arith.mulf %mul3A_204, %select_n3A_195 : vector<20x1xf32>
    %mul3A_206 = arith.mulf %mul3A_205, %select_n3A_195 : vector<20x1xf32>
    %div3A_207 = arith.constant 1.000000e+00 : f32
    %div3A_208 = vector.broadcast %div3A_207 : f32 to vector<20x1xf32>
    %div3A_209 = arith.divf %div3A_208, %mul3A_206 : vector<20x1xf32>
    %broadcast_in_dim3A_210 = vector.shape_cast %lt3A_59 : vector<1x8192xi1> to vector<1x8192xi1>
    %broadcast_in_dim3A_211 = vector.broadcast %broadcast_in_dim3A_210 : vector<1x8192xi1> to vector<20x8192xi1>
    %broadcast_in_dim3A_212 = vector.shape_cast %div3A_202 : vector<20x1xf32> to vector<20x1xf32>
    %broadcast_in_dim3A_213 = vector.broadcast %broadcast_in_dim3A_212 : vector<20x1xf32> to vector<20x8192xf32>
    %broadcast_in_dim3A_214 = vector.shape_cast %div3A_209 : vector<20x1xf32> to vector<20x1xf32>
    %broadcast_in_dim3A_215 = vector.broadcast %broadcast_in_dim3A_214 : vector<20x1xf32> to vector<20x8192xf32>
    %select_n3A_216 = arith.select %broadcast_in_dim3A_211, %broadcast_in_dim3A_213, %broadcast_in_dim3A_215 : vector<20x8192xi1>, vector<20x8192xf32>
    %log3A_217 = math.log %select_n3A_176 : vector<20x1xf32>
    %reduce_sum3A = vector.shape_cast %log3A_217 : vector<20x1xf32> to vector<1x20x1xf32>
    %reduce_sum3A_218 = arith.constant dense<0.000000e+00> : vector<1xf32>
    %reduce_sum3A_219 = vector.multi_reduction <add>, %reduce_sum3A, %reduce_sum3A_218 [1, 2] : vector<1x20x1xf32> to vector<1xf32>
    %reduce_sum3A_220 = vector.shape_cast %reduce_sum3A_219 : vector<1xf32> to vector<1x1x1xf32>
    %reduce_sum3A_221 = vector.extract %reduce_sum3A_220[0, 0, 0] : f32 from vector<1x1x1xf32>
    %log3A_222 = math.log %select_n3A_195 : vector<20x1xf32>
    %reduce_sum3A_223 = vector.shape_cast %log3A_222 : vector<20x1xf32> to vector<1x20x1xf32>
    %reduce_sum3A_224 = arith.constant dense<0.000000e+00> : vector<1xf32>
    %reduce_sum3A_225 = vector.multi_reduction <add>, %reduce_sum3A_223, %reduce_sum3A_224 [1, 2] : vector<1x20x1xf32> to vector<1xf32>
    %reduce_sum3A_226 = vector.shape_cast %reduce_sum3A_225 : vector<1xf32> to vector<1x1x1xf32>
    %reduce_sum3A_227 = vector.extract %reduce_sum3A_226[0, 0, 0] : f32 from vector<1x1x1xf32>
    %broadcast_in_dim3A_228 = vector.broadcast %reduce_sum3A_221 : f32 to vector<1x8192xf32>
    %broadcast_in_dim3A_229 = vector.broadcast %reduce_sum3A_227 : f32 to vector<1x8192xf32>
    %select_n3A_230 = arith.select %lt3A_59, %broadcast_in_dim3A_228, %broadcast_in_dim3A_229 : vector<1x8192xi1>, vector<1x8192xf32>
    %mul3A_231 = arith.mulf %select_n3A_157, %select_n3A_157 : vector<20x8192xf32>
    %mul3A_232 = arith.mulf %get3A_138, %get3A_138 : vector<20x8192xf32>
    %add3A_233 = arith.addf %mul3A_231, %mul3A_232 : vector<20x8192xf32>
    %mul3A_234 = arith.mulf %add3A_233, %select_n3A_216 : vector<20x8192xf32>
    %log3A_235 = math.log %select_n3A_157 : vector<20x8192xf32>
    %sub3A_236 = arith.subf %mul3A_234, %log3A_235 : vector<20x8192xf32>
    %reduce_sum3A_237 = arith.constant dense<0.000000e+00> : vector<8192xf32>
    %reduce_sum3A_238 = vector.multi_reduction <add>, %sub3A_236, %reduce_sum3A_237 [0] : vector<20x8192xf32> to vector<8192xf32>
    %broadcast_in_dim3A_239 = vector.shape_cast %reduce_sum3A_238 : vector<8192xf32> to vector<1x8192xf32>
    %sub3A_240 = arith.constant 1.000000e+01 : f32
    %sub3A_241 = vector.broadcast %sub3A_240 : f32 to vector<1x8192xf32>
    %sub3A_242 = arith.subf %select_n3A_230, %sub3A_241 : vector<1x8192xf32>
    %add3A_243 = arith.addf %broadcast_in_dim3A_239, %sub3A_242 : vector<1x8192xf32>
    %reshape3A_244 = vector.shape_cast %add3A_243 : vector<1x8192xf32> to vector<8192xf32>
    %swap3A_245 = arith.constant 0 : index
    %swap3A_246 = vector.load %arg7[%swap3A_245] : memref<8192xf32, #tpu.memory_space<vmem>>, vector<8192xf32>
    tpu.vector_store %arg7[%swap3A_245], %reshape3A_244 {strides = array<i32>} : memref<8192xf32, #tpu.memory_space<vmem>>, vector<8192xf32>,
    return
  }
  func.func @transform_0(%arg0: i32) -> i32 {
    %c0_i32 = arith.constant 0 : i32
    %c0_i32_0 = arith.constant 0 : i32
    return %c0_i32 : i32
  }
  func.func @transform_1(%arg0: i32) -> (i32, i32) {
    %c0_i32 = arith.constant 0 : i32
    %c0_i32_0 = arith.constant 0 : i32
    %c0_i32_1 = arith.constant 0 : i32
    return %c0_i32, %c0_i32_0 : i32, i32
  }
  func.func @transform_2(%arg0: i32) -> (i32, i32) {
    %c0_i32 = arith.constant 0 : i32
    %c0_i32_0 = arith.constant 0 : i32
    %c0_i32_1 = arith.constant 0 : i32
    return %c0_i32, %c0_i32_0 : i32, i32
  }
  func.func @transform_3(%arg0: i32) -> (i32, i32) {
    %c0_i32 = arith.constant 0 : i32
    %c0_i32_0 = arith.constant 0 : i32
    return %c0_i32, %arg0 : i32, i32
  }
  func.func @transform_4(%arg0: i32) -> (i32, i32) {
    %c0_i32 = arith.constant 0 : i32
    %c0_i32_0 = arith.constant 0 : i32
    return %c0_i32, %arg0 : i32, i32
  }
  func.func @transform_5(%arg0: i32) -> i32 {
    %c0_i32 = arith.constant 0 : i32
    return %arg0 : i32
  }
  func.func @transform_6(%arg0: i32) -> i32 {
    %c0_i32 = arith.constant 0 : i32
    return %arg0 : i32
  }
  func.func @transform_7(%arg0: i32) -> (i32, i32) {
    %c0_i32 = arith.constant 0 : i32
    %c0_i32_0 = arith.constant 0 : i32
    %c0_i32_1 = arith.constant 0 : i32
    return %c0_i32, %c0_i32_0 : i32, i32
  }
  func.func @transform_8(%arg0: i32) -> (i32, i32) {
    %c0_i32 = arith.constant 0 : i32
    %c0_i32_0 = arith.constant 0 : i32
    %c0_i32_1 = arith.constant 0 : i32
    return %c0_i32, %c0_i32_0 : i32, i32
  }
}

module attributes {stable_mosaic.version = 14 : i64} {
  func.func @_pred_body(%arg0: i32, %arg1: memref<8xf32, #tpu.memory_space<smem>>, %arg2: memref<4xi32, #tpu.memory_space<smem>>, %arg3: memref<8192x128xf32, #tpu.memory_space<vmem>>, %arg4: memref<8192x128xf32, #tpu.memory_space<vmem>>, %arg5: memref<1x8192xi32, #tpu.memory_space<vmem>>, %arg6: memref<1x8192xi32, #tpu.memory_space<vmem>>, %arg7: memref<8192xf32, #tpu.memory_space<vmem>>) attributes {dimension_semantics = [#tpu.dimension_semantics<arbitrary>], iteration_bounds = array<i64: 2>, scalar_prefetch = 0 : i64, scratch_operands = 0 : i64, tpu.core_type = #tpu.core_type<tc>, window_params = [{transform_indices = @transform_0, window_bounds = array<i64: 8>}, {transform_indices = @transform_1, window_bounds = array<i64: 4>}, {transform_indices = @transform_2, window_bounds = array<i64: 8192, 128>}, {transform_indices = @transform_3, window_bounds = array<i64: 8192, 128>}, {transform_indices = @transform_4, window_bounds = array<i64: 1, 8192>}, {transform_indices = @transform_5, window_bounds = array<i64: 1, 8192>}, {transform_indices = @transform_6, window_bounds = array<i64: 8192>}]} {
    %get3A = arith.constant 1 : index
    %get3A_0 = memref.load %arg1[%get3A] : memref<8xf32, #tpu.memory_space<smem>>
    %get3A_1 = arith.constant 2 : index
    %get3A_2 = memref.load %arg1[%get3A_1] : memref<8xf32, #tpu.memory_space<smem>>
    %get3A_3 = arith.constant 6 : index
    %get3A_4 = memref.load %arg1[%get3A_3] : memref<8xf32, #tpu.memory_space<smem>>
    %custom_jvp_call3A = arith.constant 0.000000e+00 : f32
    %max3A = arith.maximumf %get3A_2, %custom_jvp_call3A : f32
    %sub3A = arith.subf %get3A_2, %custom_jvp_call3A : f32
    %ne3A = arith.cmpf one, %sub3A, %sub3A : f32
    %add3A = arith.addf %get3A_2, %custom_jvp_call3A : f32
    %abs3A = math.absf %sub3A : f32
    %neg3A = arith.constant 0.000000e+00 : f32
    %neg3A_5 = arith.subf %neg3A, %abs3A : f32
    %exp3A = math.exp %neg3A_5 : f32
    %log1p3A = math.log1p %exp3A : f32
    %add3A_6 = arith.addf %max3A, %log1p3A : f32
    %select_n3A = arith.select %ne3A, %add3A, %add3A_6 : f32
    %mul3A = arith.mulf %select_n3A, %get3A_4 : f32
    %add3A_7 = arith.addf %get3A_0, %mul3A : f32
    %get3A_8 = arith.constant 0 : index
    %get3A_9 = memref.load %arg2[%get3A_8] : memref<4xi32, #tpu.memory_space<smem>>
    %get3A_10 = arith.constant 1 : index
    %get3A_11 = memref.load %arg2[%get3A_10] : memref<4xi32, #tpu.memory_space<smem>>
    %get3A_12 = arith.constant 2 : index
    %get3A_13 = memref.load %arg2[%get3A_12] : memref<4xi32, #tpu.memory_space<smem>>
    %get3A_14 = arith.constant 3 : index
    %get3A_15 = memref.load %arg2[%get3A_14] : memref<4xi32, #tpu.memory_space<smem>>
    %get3A_16 = arith.constant 0 : index
    %get3A_17 = arith.constant 0 : index
    %get3A_18 = vector.load %arg3[%get3A_16, %get3A_17] : memref<8192x128xf32, #tpu.memory_space<vmem>>, vector<8192x128xf32>
    %transpose3A = tpu.transpose %get3A_18, [1, 0] : vector<8192x128xf32> -> vector<128x8192xf32>
    %slice3A = vector.extract_strided_slice %transpose3A {offsets = [0, 0], sizes = [20, 8192], strides = [1, 1]} : vector<128x8192xf32> to vector<20x8192xf32>
    %slice3A_19 = vector.extract_strided_slice %transpose3A {offsets = [20, 0], sizes = [20, 8192], strides = [1, 1]} : vector<128x8192xf32> to vector<20x8192xf32>
    %slice3A_20 = vector.extract_strided_slice %transpose3A {offsets = [40, 0], sizes = [1, 8192], strides = [1, 1]} : vector<128x8192xf32> to vector<1x8192xf32>
    %slice3A_21 = vector.extract_strided_slice %transpose3A {offsets = [41, 0], sizes = [1, 8192], strides = [1, 1]} : vector<128x8192xf32> to vector<1x8192xf32>
    %get3A_22 = arith.constant 0 : index
    %get3A_23 = arith.constant 0 : index
    %get3A_24 = vector.load %arg5[%get3A_22, %get3A_23] : memref<1x8192xi32, #tpu.memory_space<vmem>>, vector<1x8192xi32>
    %mul3A_25 = arith.constant 20 : i32
    %mul3A_26 = vector.broadcast %mul3A_25 : i32 to vector<1x8192xi32>
    %mul3A_27 = arith.muli %get3A_24, %mul3A_26 : vector<1x8192xi32>
    %iota3A = tpu.iota {dimensions = array<i32: 0>} : vector<20x8192xi32>
    %add3A_28 = vector.broadcast %mul3A_27 : vector<1x8192xi32> to vector<20x8192xi32>
    %add3A_29 = arith.addi %add3A_28, %iota3A : vector<20x8192xi32>
    %xor3A = arith.xori %get3A_13, %get3A_15 : i32
    %xor3A_30 = arith.constant 466688986 : i32
    %xor3A_31 = arith.xori %xor3A, %xor3A_30 : i32
    %broadcast_in_dim3A = arith.constant 0 : i32
    %broadcast_in_dim3A_32 = vector.broadcast %broadcast_in_dim3A : i32 to vector<20x8192xi32>
    %add3A_33 = vector.broadcast %get3A_13 : i32 to vector<20x8192xi32>
    %add3A_34 = arith.addi %broadcast_in_dim3A_32, %add3A_33 : vector<20x8192xi32>
    %add3A_35 = vector.broadcast %get3A_15 : i32 to vector<20x8192xi32>
    %add3A_36 = arith.addi %add3A_29, %add3A_35 : vector<20x8192xi32>
    %add3A_37 = arith.addi %add3A_34, %add3A_36 : vector<20x8192xi32>
    %shift_left3A = arith.constant 13 : i32
    %shift_left3A_38 = vector.broadcast %shift_left3A : i32 to vector<20x8192xi32>
    %shift_left3A_39 = arith.shli %add3A_36, %shift_left3A_38 : vector<20x8192xi32>
    %shift_right_logical3A = arith.constant 19 : i32
    %shift_right_logical3A_40 = vector.broadcast %shift_right_logical3A : i32 to vector<20x8192xi32>
    %shift_right_logical3A_41 = arith.shrui %add3A_36, %shift_right_logical3A_40 : vector<20x8192xi32>
    %or3A = arith.ori %shift_left3A_39, %shift_right_logical3A_41 : vector<20x8192xi32>
    %xor3A_42 = arith.xori %add3A_37, %or3A : vector<20x8192xi32>
    %add3A_43 = arith.addi %add3A_37, %xor3A_42 : vector<20x8192xi32>
    %shift_left3A_44 = arith.constant 15 : i32
    %shift_left3A_45 = vector.broadcast %shift_left3A_44 : i32 to vector<20x8192xi32>
    %shift_left3A_46 = arith.shli %xor3A_42, %shift_left3A_45 : vector<20x8192xi32>
    %shift_right_logical3A_47 = arith.constant 17 : i32
    %shift_right_logical3A_48 = vector.broadcast %shift_right_logical3A_47 : i32 to vector<20x8192xi32>
    %shift_right_logical3A_49 = arith.shrui %xor3A_42, %shift_right_logical3A_48 : vector<20x8192xi32>
    %or3A_50 = arith.ori %shift_left3A_46, %shift_right_logical3A_49 : vector<20x8192xi32>
    %xor3A_51 = arith.xori %add3A_43, %or3A_50 : vector<20x8192xi32>
    %add3A_52 = arith.addi %add3A_43, %xor3A_51 : vector<20x8192xi32>
    %shift_left3A_53 = arith.constant 26 : i32
    %shift_left3A_54 = vector.broadcast %shift_left3A_53 : i32 to vector<20x8192xi32>
    %shift_left3A_55 = arith.shli %xor3A_51, %shift_left3A_54 : vector<20x8192xi32>
    %shift_right_logical3A_56 = arith.constant 6 : i32
    %shift_right_logical3A_57 = vector.broadcast %shift_right_logical3A_56 : i32 to vector<20x8192xi32>
    %shift_right_logical3A_58 = arith.shrui %xor3A_51, %shift_right_logical3A_57 : vector<20x8192xi32>
    %or3A_59 = arith.ori %shift_left3A_55, %shift_right_logical3A_58 : vector<20x8192xi32>
    %xor3A_60 = arith.xori %add3A_52, %or3A_59 : vector<20x8192xi32>
    %add3A_61 = arith.addi %add3A_52, %xor3A_60 : vector<20x8192xi32>
    %shift_left3A_62 = arith.constant 6 : i32
    %shift_left3A_63 = vector.broadcast %shift_left3A_62 : i32 to vector<20x8192xi32>
    %shift_left3A_64 = arith.shli %xor3A_60, %shift_left3A_63 : vector<20x8192xi32>
    %shift_right_logical3A_65 = arith.constant 26 : i32
    %shift_right_logical3A_66 = vector.broadcast %shift_right_logical3A_65 : i32 to vector<20x8192xi32>
    %shift_right_logical3A_67 = arith.shrui %xor3A_60, %shift_right_logical3A_66 : vector<20x8192xi32>
    %or3A_68 = arith.ori %shift_left3A_64, %shift_right_logical3A_67 : vector<20x8192xi32>
    %xor3A_69 = arith.xori %add3A_61, %or3A_68 : vector<20x8192xi32>
    %add3A_70 = vector.broadcast %get3A_15 : i32 to vector<20x8192xi32>
    %add3A_71 = arith.addi %add3A_61, %add3A_70 : vector<20x8192xi32>
    %add3A_72 = vector.broadcast %xor3A_31 : i32 to vector<20x8192xi32>
    %add3A_73 = arith.addi %xor3A_69, %add3A_72 : vector<20x8192xi32>
    %add3A_74 = arith.constant 1 : i32
    %add3A_75 = vector.broadcast %add3A_74 : i32 to vector<20x8192xi32>
    %add3A_76 = arith.addi %add3A_73, %add3A_75 : vector<20x8192xi32>
    %add3A_77 = arith.addi %add3A_71, %add3A_76 : vector<20x8192xi32>
    %shift_left3A_78 = arith.constant 17 : i32
    %shift_left3A_79 = vector.broadcast %shift_left3A_78 : i32 to vector<20x8192xi32>
    %shift_left3A_80 = arith.shli %add3A_76, %shift_left3A_79 : vector<20x8192xi32>
    %shift_right_logical3A_81 = arith.constant 15 : i32
    %shift_right_logical3A_82 = vector.broadcast %shift_right_logical3A_81 : i32 to vector<20x8192xi32>
    %shift_right_logical3A_83 = arith.shrui %add3A_76, %shift_right_logical3A_82 : vector<20x8192xi32>
    %or3A_84 = arith.ori %shift_left3A_80, %shift_right_logical3A_83 : vector<20x8192xi32>
    %xor3A_85 = arith.xori %add3A_77, %or3A_84 : vector<20x8192xi32>
    %add3A_86 = arith.addi %add3A_77, %xor3A_85 : vector<20x8192xi32>
    %shift_left3A_87 = arith.constant 29 : i32
    %shift_left3A_88 = vector.broadcast %shift_left3A_87 : i32 to vector<20x8192xi32>
    %shift_left3A_89 = arith.shli %xor3A_85, %shift_left3A_88 : vector<20x8192xi32>
    %shift_right_logical3A_90 = arith.constant 3 : i32
    %shift_right_logical3A_91 = vector.broadcast %shift_right_logical3A_90 : i32 to vector<20x8192xi32>
    %shift_right_logical3A_92 = arith.shrui %xor3A_85, %shift_right_logical3A_91 : vector<20x8192xi32>
    %or3A_93 = arith.ori %shift_left3A_89, %shift_right_logical3A_92 : vector<20x8192xi32>
    %xor3A_94 = arith.xori %add3A_86, %or3A_93 : vector<20x8192xi32>
    %add3A_95 = arith.addi %add3A_86, %xor3A_94 : vector<20x8192xi32>
    %shift_left3A_96 = arith.constant 16 : i32
    %shift_left3A_97 = vector.broadcast %shift_left3A_96 : i32 to vector<20x8192xi32>
    %shift_left3A_98 = arith.shli %xor3A_94, %shift_left3A_97 : vector<20x8192xi32>
    %shift_right_logical3A_99 = arith.constant 16 : i32
    %shift_right_logical3A_100 = vector.broadcast %shift_right_logical3A_99 : i32 to vector<20x8192xi32>
    %shift_right_logical3A_101 = arith.shrui %xor3A_94, %shift_right_logical3A_100 : vector<20x8192xi32>
    %or3A_102 = arith.ori %shift_left3A_98, %shift_right_logical3A_101 : vector<20x8192xi32>
    %xor3A_103 = arith.xori %add3A_95, %or3A_102 : vector<20x8192xi32>
    %add3A_104 = arith.addi %add3A_95, %xor3A_103 : vector<20x8192xi32>
    %shift_left3A_105 = arith.constant 24 : i32
    %shift_left3A_106 = vector.broadcast %shift_left3A_105 : i32 to vector<20x8192xi32>
    %shift_left3A_107 = arith.shli %xor3A_103, %shift_left3A_106 : vector<20x8192xi32>
    %shift_right_logical3A_108 = arith.constant 8 : i32
    %shift_right_logical3A_109 = vector.broadcast %shift_right_logical3A_108 : i32 to vector<20x8192xi32>
    %shift_right_logical3A_110 = arith.shrui %xor3A_103, %shift_right_logical3A_109 : vector<20x8192xi32>
    %or3A_111 = arith.ori %shift_left3A_107, %shift_right_logical3A_110 : vector<20x8192xi32>
    %xor3A_112 = arith.xori %add3A_104, %or3A_111 : vector<20x8192xi32>
    %add3A_113 = vector.broadcast %xor3A_31 : i32 to vector<20x8192xi32>
    %add3A_114 = arith.addi %add3A_104, %add3A_113 : vector<20x8192xi32>
    %add3A_115 = vector.broadcast %get3A_13 : i32 to vector<20x8192xi32>
    %add3A_116 = arith.addi %xor3A_112, %add3A_115 : vector<20x8192xi32>
    %add3A_117 = arith.constant 2 : i32
    %add3A_118 = vector.broadcast %add3A_117 : i32 to vector<20x8192xi32>
    %add3A_119 = arith.addi %add3A_116, %add3A_118 : vector<20x8192xi32>
    %add3A_120 = arith.addi %add3A_114, %add3A_119 : vector<20x8192xi32>
    %shift_left3A_121 = arith.constant 13 : i32
    %shift_left3A_122 = vector.broadcast %shift_left3A_121 : i32 to vector<20x8192xi32>
    %shift_left3A_123 = arith.shli %add3A_119, %shift_left3A_122 : vector<20x8192xi32>
    %shift_right_logical3A_124 = arith.constant 19 : i32
    %shift_right_logical3A_125 = vector.broadcast %shift_right_logical3A_124 : i32 to vector<20x8192xi32>
    %shift_right_logical3A_126 = arith.shrui %add3A_119, %shift_right_logical3A_125 : vector<20x8192xi32>
    %or3A_127 = arith.ori %shift_left3A_123, %shift_right_logical3A_126 : vector<20x8192xi32>
    %xor3A_128 = arith.xori %add3A_120, %or3A_127 : vector<20x8192xi32>
    %add3A_129 = arith.addi %add3A_120, %xor3A_128 : vector<20x8192xi32>
    %shift_left3A_130 = arith.constant 15 : i32
    %shift_left3A_131 = vector.broadcast %shift_left3A_130 : i32 to vector<20x8192xi32>
    %shift_left3A_132 = arith.shli %xor3A_128, %shift_left3A_131 : vector<20x8192xi32>
    %shift_right_logical3A_133 = arith.constant 17 : i32
    %shift_right_logical3A_134 = vector.broadcast %shift_right_logical3A_133 : i32 to vector<20x8192xi32>
    %shift_right_logical3A_135 = arith.shrui %xor3A_128, %shift_right_logical3A_134 : vector<20x8192xi32>
    %or3A_136 = arith.ori %shift_left3A_132, %shift_right_logical3A_135 : vector<20x8192xi32>
    %xor3A_137 = arith.xori %add3A_129, %or3A_136 : vector<20x8192xi32>
    %add3A_138 = arith.addi %add3A_129, %xor3A_137 : vector<20x8192xi32>
    %shift_left3A_139 = arith.constant 26 : i32
    %shift_left3A_140 = vector.broadcast %shift_left3A_139 : i32 to vector<20x8192xi32>
    %shift_left3A_141 = arith.shli %xor3A_137, %shift_left3A_140 : vector<20x8192xi32>
    %shift_right_logical3A_142 = arith.constant 6 : i32
    %shift_right_logical3A_143 = vector.broadcast %shift_right_logical3A_142 : i32 to vector<20x8192xi32>
    %shift_right_logical3A_144 = arith.shrui %xor3A_137, %shift_right_logical3A_143 : vector<20x8192xi32>
    %or3A_145 = arith.ori %shift_left3A_141, %shift_right_logical3A_144 : vector<20x8192xi32>
    %xor3A_146 = arith.xori %add3A_138, %or3A_145 : vector<20x8192xi32>
    %add3A_147 = arith.addi %add3A_138, %xor3A_146 : vector<20x8192xi32>
    %shift_left3A_148 = arith.constant 6 : i32
    %shift_left3A_149 = vector.broadcast %shift_left3A_148 : i32 to vector<20x8192xi32>
    %shift_left3A_150 = arith.shli %xor3A_146, %shift_left3A_149 : vector<20x8192xi32>
    %shift_right_logical3A_151 = arith.constant 26 : i32
    %shift_right_logical3A_152 = vector.broadcast %shift_right_logical3A_151 : i32 to vector<20x8192xi32>
    %shift_right_logical3A_153 = arith.shrui %xor3A_146, %shift_right_logical3A_152 : vector<20x8192xi32>
    %or3A_154 = arith.ori %shift_left3A_150, %shift_right_logical3A_153 : vector<20x8192xi32>
    %xor3A_155 = arith.xori %add3A_147, %or3A_154 : vector<20x8192xi32>
    %add3A_156 = vector.broadcast %get3A_13 : i32 to vector<20x8192xi32>
    %add3A_157 = arith.addi %add3A_147, %add3A_156 : vector<20x8192xi32>
    %add3A_158 = vector.broadcast %get3A_15 : i32 to vector<20x8192xi32>
    %add3A_159 = arith.addi %xor3A_155, %add3A_158 : vector<20x8192xi32>
    %add3A_160 = arith.constant 3 : i32
    %add3A_161 = vector.broadcast %add3A_160 : i32 to vector<20x8192xi32>
    %add3A_162 = arith.addi %add3A_159, %add3A_161 : vector<20x8192xi32>
    %add3A_163 = arith.addi %add3A_157, %add3A_162 : vector<20x8192xi32>
    %shift_left3A_164 = arith.constant 17 : i32
    %shift_left3A_165 = vector.broadcast %shift_left3A_164 : i32 to vector<20x8192xi32>
    %shift_left3A_166 = arith.shli %add3A_162, %shift_left3A_165 : vector<20x8192xi32>
    %shift_right_logical3A_167 = arith.constant 15 : i32
    %shift_right_logical3A_168 = vector.broadcast %shift_right_logical3A_167 : i32 to vector<20x8192xi32>
    %shift_right_logical3A_169 = arith.shrui %add3A_162, %shift_right_logical3A_168 : vector<20x8192xi32>
    %or3A_170 = arith.ori %shift_left3A_166, %shift_right_logical3A_169 : vector<20x8192xi32>
    %xor3A_171 = arith.xori %add3A_163, %or3A_170 : vector<20x8192xi32>
    %add3A_172 = arith.addi %add3A_163, %xor3A_171 : vector<20x8192xi32>
    %shift_left3A_173 = arith.constant 29 : i32
    %shift_left3A_174 = vector.broadcast %shift_left3A_173 : i32 to vector<20x8192xi32>
    %shift_left3A_175 = arith.shli %xor3A_171, %shift_left3A_174 : vector<20x8192xi32>
    %shift_right_logical3A_176 = arith.constant 3 : i32
    %shift_right_logical3A_177 = vector.broadcast %shift_right_logical3A_176 : i32 to vector<20x8192xi32>
    %shift_right_logical3A_178 = arith.shrui %xor3A_171, %shift_right_logical3A_177 : vector<20x8192xi32>
    %or3A_179 = arith.ori %shift_left3A_175, %shift_right_logical3A_178 : vector<20x8192xi32>
    %xor3A_180 = arith.xori %add3A_172, %or3A_179 : vector<20x8192xi32>
    %add3A_181 = arith.addi %add3A_172, %xor3A_180 : vector<20x8192xi32>
    %shift_left3A_182 = arith.constant 16 : i32
    %shift_left3A_183 = vector.broadcast %shift_left3A_182 : i32 to vector<20x8192xi32>
    %shift_left3A_184 = arith.shli %xor3A_180, %shift_left3A_183 : vector<20x8192xi32>
    %shift_right_logical3A_185 = arith.constant 16 : i32
    %shift_right_logical3A_186 = vector.broadcast %shift_right_logical3A_185 : i32 to vector<20x8192xi32>
    %shift_right_logical3A_187 = arith.shrui %xor3A_180, %shift_right_logical3A_186 : vector<20x8192xi32>
    %or3A_188 = arith.ori %shift_left3A_184, %shift_right_logical3A_187 : vector<20x8192xi32>
    %xor3A_189 = arith.xori %add3A_181, %or3A_188 : vector<20x8192xi32>
    %add3A_190 = arith.addi %add3A_181, %xor3A_189 : vector<20x8192xi32>
    %shift_left3A_191 = arith.constant 24 : i32
    %shift_left3A_192 = vector.broadcast %shift_left3A_191 : i32 to vector<20x8192xi32>
    %shift_left3A_193 = arith.shli %xor3A_189, %shift_left3A_192 : vector<20x8192xi32>
    %shift_right_logical3A_194 = arith.constant 8 : i32
    %shift_right_logical3A_195 = vector.broadcast %shift_right_logical3A_194 : i32 to vector<20x8192xi32>
    %shift_right_logical3A_196 = arith.shrui %xor3A_189, %shift_right_logical3A_195 : vector<20x8192xi32>
    %or3A_197 = arith.ori %shift_left3A_193, %shift_right_logical3A_196 : vector<20x8192xi32>
    %xor3A_198 = arith.xori %add3A_190, %or3A_197 : vector<20x8192xi32>
    %add3A_199 = vector.broadcast %get3A_15 : i32 to vector<20x8192xi32>
    %add3A_200 = arith.addi %add3A_190, %add3A_199 : vector<20x8192xi32>
    %add3A_201 = vector.broadcast %xor3A_31 : i32 to vector<20x8192xi32>
    %add3A_202 = arith.addi %xor3A_198, %add3A_201 : vector<20x8192xi32>
    %add3A_203 = arith.constant 4 : i32
    %add3A_204 = vector.broadcast %add3A_203 : i32 to vector<20x8192xi32>
    %add3A_205 = arith.addi %add3A_202, %add3A_204 : vector<20x8192xi32>
    %add3A_206 = arith.addi %add3A_200, %add3A_205 : vector<20x8192xi32>
    %shift_left3A_207 = arith.constant 13 : i32
    %shift_left3A_208 = vector.broadcast %shift_left3A_207 : i32 to vector<20x8192xi32>
    %shift_left3A_209 = arith.shli %add3A_205, %shift_left3A_208 : vector<20x8192xi32>
    %shift_right_logical3A_210 = arith.constant 19 : i32
    %shift_right_logical3A_211 = vector.broadcast %shift_right_logical3A_210 : i32 to vector<20x8192xi32>
    %shift_right_logical3A_212 = arith.shrui %add3A_205, %shift_right_logical3A_211 : vector<20x8192xi32>
    %or3A_213 = arith.ori %shift_left3A_209, %shift_right_logical3A_212 : vector<20x8192xi32>
    %xor3A_214 = arith.xori %add3A_206, %or3A_213 : vector<20x8192xi32>
    %add3A_215 = arith.addi %add3A_206, %xor3A_214 : vector<20x8192xi32>
    %shift_left3A_216 = arith.constant 15 : i32
    %shift_left3A_217 = vector.broadcast %shift_left3A_216 : i32 to vector<20x8192xi32>
    %shift_left3A_218 = arith.shli %xor3A_214, %shift_left3A_217 : vector<20x8192xi32>
    %shift_right_logical3A_219 = arith.constant 17 : i32
    %shift_right_logical3A_220 = vector.broadcast %shift_right_logical3A_219 : i32 to vector<20x8192xi32>
    %shift_right_logical3A_221 = arith.shrui %xor3A_214, %shift_right_logical3A_220 : vector<20x8192xi32>
    %or3A_222 = arith.ori %shift_left3A_218, %shift_right_logical3A_221 : vector<20x8192xi32>
    %xor3A_223 = arith.xori %add3A_215, %or3A_222 : vector<20x8192xi32>
    %add3A_224 = arith.addi %add3A_215, %xor3A_223 : vector<20x8192xi32>
    %shift_left3A_225 = arith.constant 26 : i32
    %shift_left3A_226 = vector.broadcast %shift_left3A_225 : i32 to vector<20x8192xi32>
    %shift_left3A_227 = arith.shli %xor3A_223, %shift_left3A_226 : vector<20x8192xi32>
    %shift_right_logical3A_228 = arith.constant 6 : i32
    %shift_right_logical3A_229 = vector.broadcast %shift_right_logical3A_228 : i32 to vector<20x8192xi32>
    %shift_right_logical3A_230 = arith.shrui %xor3A_223, %shift_right_logical3A_229 : vector<20x8192xi32>
    %or3A_231 = arith.ori %shift_left3A_227, %shift_right_logical3A_230 : vector<20x8192xi32>
    %xor3A_232 = arith.xori %add3A_224, %or3A_231 : vector<20x8192xi32>
    %add3A_233 = arith.addi %add3A_224, %xor3A_232 : vector<20x8192xi32>
    %shift_left3A_234 = arith.constant 6 : i32
    %shift_left3A_235 = vector.broadcast %shift_left3A_234 : i32 to vector<20x8192xi32>
    %shift_left3A_236 = arith.shli %xor3A_232, %shift_left3A_235 : vector<20x8192xi32>
    %shift_right_logical3A_237 = arith.constant 26 : i32
    %shift_right_logical3A_238 = vector.broadcast %shift_right_logical3A_237 : i32 to vector<20x8192xi32>
    %shift_right_logical3A_239 = arith.shrui %xor3A_232, %shift_right_logical3A_238 : vector<20x8192xi32>
    %or3A_240 = arith.ori %shift_left3A_236, %shift_right_logical3A_239 : vector<20x8192xi32>
    %xor3A_241 = arith.xori %add3A_233, %or3A_240 : vector<20x8192xi32>
    %add3A_242 = vector.broadcast %xor3A_31 : i32 to vector<20x8192xi32>
    %add3A_243 = arith.addi %add3A_233, %add3A_242 : vector<20x8192xi32>
    %add3A_244 = vector.broadcast %get3A_13 : i32 to vector<20x8192xi32>
    %add3A_245 = arith.addi %xor3A_241, %add3A_244 : vector<20x8192xi32>
    %add3A_246 = arith.constant 5 : i32
    %add3A_247 = vector.broadcast %add3A_246 : i32 to vector<20x8192xi32>
    %add3A_248 = arith.addi %add3A_245, %add3A_247 : vector<20x8192xi32>
    %xor3A_249 = arith.xori %add3A_243, %add3A_248 : vector<20x8192xi32>
    %shift_right_logical3A_250 = arith.constant 9 : i32
    %shift_right_logical3A_251 = vector.broadcast %shift_right_logical3A_250 : i32 to vector<20x8192xi32>
    %shift_right_logical3A_252 = arith.shrui %xor3A_249, %shift_right_logical3A_251 : vector<20x8192xi32>
    %or3A_253 = arith.constant 1065353216 : i32
    %or3A_254 = vector.broadcast %or3A_253 : i32 to vector<20x8192xi32>
    %or3A_255 = arith.ori %shift_right_logical3A_252, %or3A_254 : vector<20x8192xi32>
    %bitcast_convert_type3A = tpu.bitcast %or3A_255 : vector<20x8192xi32> -> vector<20x8192xf32>
    %sub3A_256 = arith.constant 1.000000e+00 : f32
    %sub3A_257 = vector.broadcast %sub3A_256 : f32 to vector<20x8192xf32>
    %sub3A_258 = arith.subf %bitcast_convert_type3A, %sub3A_257 : vector<20x8192xf32>
    %mul3A_259 = arith.constant 2.000000e+00 : f32
    %mul3A_260 = vector.broadcast %mul3A_259 : f32 to vector<20x8192xf32>
    %mul3A_261 = arith.mulf %sub3A_258, %mul3A_260 : vector<20x8192xf32>
    %add3A_262 = arith.constant -0.99999994 : f32
    %add3A_263 = vector.broadcast %add3A_262 : f32 to vector<20x8192xf32>
    %add3A_264 = arith.addf %mul3A_261, %add3A_263 : vector<20x8192xf32>
    %max3A_265 = arith.constant -0.99999994 : f32
    %max3A_266 = vector.broadcast %max3A_265 : f32 to vector<20x8192xf32>
    %max3A_267 = arith.maximumf %max3A_266, %add3A_264 : vector<20x8192xf32>
    %erf_inv3A = arith.constant 0.000000e+00 : f32
    %erf_inv3A_268 = vector.broadcast %erf_inv3A : f32 to vector<20x8192xf32>
    %erf_inv3A_269 = arith.subf %erf_inv3A_268, %max3A_267 : vector<20x8192xf32>
    %erf_inv3A_270 = arith.mulf %max3A_267, %erf_inv3A_269 : vector<20x8192xf32>
    %erf_inv3A_271 = math.log1p %erf_inv3A_270 : vector<20x8192xf32>
    %erf_inv3A_272 = arith.constant 0.000000e+00 : f32
    %erf_inv3A_273 = vector.broadcast %erf_inv3A_272 : f32 to vector<20x8192xf32>
    %erf_inv3A_274 = arith.subf %erf_inv3A_273, %erf_inv3A_271 : vector<20x8192xf32>
    %erf_inv3A_275 = arith.constant 5.000000e+00 : f32
    %erf_inv3A_276 = vector.broadcast %erf_inv3A_275 : f32 to vector<20x8192xf32>
    %erf_inv3A_277 = arith.cmpf olt, %erf_inv3A_274, %erf_inv3A_276 : vector<20x8192xf32>
    %erf_inv3A_278 = arith.constant 2.500000e+00 : f32
    %erf_inv3A_279 = vector.broadcast %erf_inv3A_278 : f32 to vector<20x8192xf32>
    %erf_inv3A_280 = arith.subf %erf_inv3A_274, %erf_inv3A_279 : vector<20x8192xf32>
    %erf_inv3A_281 = math.sqrt %erf_inv3A_274 : vector<20x8192xf32>
    %erf_inv3A_282 = arith.constant 3.000000e+00 : f32
    %erf_inv3A_283 = vector.broadcast %erf_inv3A_282 : f32 to vector<20x8192xf32>
    %erf_inv3A_284 = arith.subf %erf_inv3A_281, %erf_inv3A_283 : vector<20x8192xf32>
    %erf_inv3A_285 = arith.select %erf_inv3A_277, %erf_inv3A_280, %erf_inv3A_284 : vector<20x8192xi1>, vector<20x8192xf32>
    %erf_inv3A_286 = arith.constant 2.81022636E-8 : f32
    %erf_inv3A_287 = arith.constant -2.00214257E-4 : f32
    %erf_inv3A_288 = vector.broadcast %erf_inv3A_286 : f32 to vector<20x8192xf32>
    %erf_inv3A_289 = vector.broadcast %erf_inv3A_287 : f32 to vector<20x8192xf32>
    %erf_inv3A_290 = arith.select %erf_inv3A_277, %erf_inv3A_288, %erf_inv3A_289 : vector<20x8192xi1>, vector<20x8192xf32>
    %erf_inv3A_291 = arith.constant 3.43273939E-7 : f32
    %erf_inv3A_292 = arith.constant 1.00950558E-4 : f32
    %erf_inv3A_293 = vector.broadcast %erf_inv3A_291 : f32 to vector<20x8192xf32>
    %erf_inv3A_294 = vector.broadcast %erf_inv3A_292 : f32 to vector<20x8192xf32>
    %erf_inv3A_295 = arith.select %erf_inv3A_277, %erf_inv3A_293, %erf_inv3A_294 : vector<20x8192xi1>, vector<20x8192xf32>
    %erf_inv3A_296 = arith.mulf %erf_inv3A_290, %erf_inv3A_285 : vector<20x8192xf32>
    %erf_inv3A_297 = arith.addf %erf_inv3A_295, %erf_inv3A_296 : vector<20x8192xf32>
    %erf_inv3A_298 = arith.constant -3.5233877E-6 : f32
    %erf_inv3A_299 = arith.constant 0.00134934322 : f32
    %erf_inv3A_300 = vector.broadcast %erf_inv3A_298 : f32 to vector<20x8192xf32>
    %erf_inv3A_301 = vector.broadcast %erf_inv3A_299 : f32 to vector<20x8192xf32>
    %erf_inv3A_302 = arith.select %erf_inv3A_277, %erf_inv3A_300, %erf_inv3A_301 : vector<20x8192xi1>, vector<20x8192xf32>
    %erf_inv3A_303 = arith.mulf %erf_inv3A_297, %erf_inv3A_285 : vector<20x8192xf32>
    %erf_inv3A_304 = arith.addf %erf_inv3A_302, %erf_inv3A_303 : vector<20x8192xf32>
    %erf_inv3A_305 = arith.constant -4.39150654E-6 : f32
    %erf_inv3A_306 = arith.constant -0.00367342844 : f32
    %erf_inv3A_307 = vector.broadcast %erf_inv3A_305 : f32 to vector<20x8192xf32>
    %erf_inv3A_308 = vector.broadcast %erf_inv3A_306 : f32 to vector<20x8192xf32>
    %erf_inv3A_309 = arith.select %erf_inv3A_277, %erf_inv3A_307, %erf_inv3A_308 : vector<20x8192xi1>, vector<20x8192xf32>
    %erf_inv3A_310 = arith.mulf %erf_inv3A_304, %erf_inv3A_285 : vector<20x8192xf32>
    %erf_inv3A_311 = arith.addf %erf_inv3A_309, %erf_inv3A_310 : vector<20x8192xf32>
    %erf_inv3A_312 = arith.constant 2.1858087E-4 : f32
    %erf_inv3A_313 = arith.constant 0.00573950773 : f32
    %erf_inv3A_314 = vector.broadcast %erf_inv3A_312 : f32 to vector<20x8192xf32>
    %erf_inv3A_315 = vector.broadcast %erf_inv3A_313 : f32 to vector<20x8192xf32>
    %erf_inv3A_316 = arith.select %erf_inv3A_277, %erf_inv3A_314, %erf_inv3A_315 : vector<20x8192xi1>, vector<20x8192xf32>
    %erf_inv3A_317 = arith.mulf %erf_inv3A_311, %erf_inv3A_285 : vector<20x8192xf32>
    %erf_inv3A_318 = arith.addf %erf_inv3A_316, %erf_inv3A_317 : vector<20x8192xf32>
    %erf_inv3A_319 = arith.constant -0.00125372503 : f32
    %erf_inv3A_320 = arith.constant -0.0076224613 : f32
    %erf_inv3A_321 = vector.broadcast %erf_inv3A_319 : f32 to vector<20x8192xf32>
    %erf_inv3A_322 = vector.broadcast %erf_inv3A_320 : f32 to vector<20x8192xf32>
    %erf_inv3A_323 = arith.select %erf_inv3A_277, %erf_inv3A_321, %erf_inv3A_322 : vector<20x8192xi1>, vector<20x8192xf32>
    %erf_inv3A_324 = arith.mulf %erf_inv3A_318, %erf_inv3A_285 : vector<20x8192xf32>
    %erf_inv3A_325 = arith.addf %erf_inv3A_323, %erf_inv3A_324 : vector<20x8192xf32>
    %erf_inv3A_326 = arith.constant -0.00417768164 : f32
    %erf_inv3A_327 = arith.constant 0.00943887047 : f32
    %erf_inv3A_328 = vector.broadcast %erf_inv3A_326 : f32 to vector<20x8192xf32>
    %erf_inv3A_329 = vector.broadcast %erf_inv3A_327 : f32 to vector<20x8192xf32>
    %erf_inv3A_330 = arith.select %erf_inv3A_277, %erf_inv3A_328, %erf_inv3A_329 : vector<20x8192xi1>, vector<20x8192xf32>
    %erf_inv3A_331 = arith.mulf %erf_inv3A_325, %erf_inv3A_285 : vector<20x8192xf32>
    %erf_inv3A_332 = arith.addf %erf_inv3A_330, %erf_inv3A_331 : vector<20x8192xf32>
    %erf_inv3A_333 = arith.constant 0.246640727 : f32
    %erf_inv3A_334 = arith.constant 1.00167406 : f32
    %erf_inv3A_335 = vector.broadcast %erf_inv3A_333 : f32 to vector<20x8192xf32>
    %erf_inv3A_336 = vector.broadcast %erf_inv3A_334 : f32 to vector<20x8192xf32>
    %erf_inv3A_337 = arith.select %erf_inv3A_277, %erf_inv3A_335, %erf_inv3A_336 : vector<20x8192xi1>, vector<20x8192xf32>
    %erf_inv3A_338 = arith.mulf %erf_inv3A_332, %erf_inv3A_285 : vector<20x8192xf32>
    %erf_inv3A_339 = arith.addf %erf_inv3A_337, %erf_inv3A_338 : vector<20x8192xf32>
    %erf_inv3A_340 = arith.constant 1.50140941 : f32
    %erf_inv3A_341 = arith.constant 2.83297682 : f32
    %erf_inv3A_342 = vector.broadcast %erf_inv3A_340 : f32 to vector<20x8192xf32>
    %erf_inv3A_343 = vector.broadcast %erf_inv3A_341 : f32 to vector<20x8192xf32>
    %erf_inv3A_344 = arith.select %erf_inv3A_277, %erf_inv3A_342, %erf_inv3A_343 : vector<20x8192xi1>, vector<20x8192xf32>
    %erf_inv3A_345 = arith.mulf %erf_inv3A_339, %erf_inv3A_285 : vector<20x8192xf32>
    %erf_inv3A_346 = arith.addf %erf_inv3A_344, %erf_inv3A_345 : vector<20x8192xf32>
    %erf_inv3A_347 = math.absf %max3A_267 : vector<20x8192xf32>
    %erf_inv3A_348 = arith.constant 1.000000e+00 : f32
    %erf_inv3A_349 = vector.broadcast %erf_inv3A_348 : f32 to vector<20x8192xf32>
    %erf_inv3A_350 = arith.cmpf oeq, %erf_inv3A_347, %erf_inv3A_349 : vector<20x8192xf32>
    %erf_inv3A_351 = arith.constant 0x7F800000 : f32
    %erf_inv3A_352 = vector.broadcast %erf_inv3A_351 : f32 to vector<20x8192xf32>
    %erf_inv3A_353 = arith.mulf %erf_inv3A_352, %max3A_267 : vector<20x8192xf32>
    %erf_inv3A_354 = arith.mulf %erf_inv3A_346, %max3A_267 : vector<20x8192xf32>
    %erf_inv3A_355 = arith.select %erf_inv3A_350, %erf_inv3A_353, %erf_inv3A_354 : vector<20x8192xi1>, vector<20x8192xf32>
    %mul3A_356 = arith.constant 1.41421354 : f32
    %mul3A_357 = vector.broadcast %mul3A_356 : f32 to vector<20x8192xf32>
    %mul3A_358 = arith.mulf %mul3A_357, %erf_inv3A_355 : vector<20x8192xf32>
    %xor3A_359 = arith.xori %get3A_9, %get3A_11 : i32
    %xor3A_360 = arith.constant 466688986 : i32
    %xor3A_361 = arith.xori %xor3A_359, %xor3A_360 : i32
    %broadcast_in_dim3A_362 = arith.constant 0 : i32
    %broadcast_in_dim3A_363 = vector.broadcast %broadcast_in_dim3A_362 : i32 to vector<1x8192xi32>
    %add3A_364 = vector.broadcast %get3A_9 : i32 to vector<1x8192xi32>
    %add3A_365 = arith.addi %broadcast_in_dim3A_363, %add3A_364 : vector<1x8192xi32>
    %add3A_366 = vector.broadcast %get3A_11 : i32 to vector<1x8192xi32>
    %add3A_367 = arith.addi %get3A_24, %add3A_366 : vector<1x8192xi32>
    %add3A_368 = arith.addi %add3A_365, %add3A_367 : vector<1x8192xi32>
    %shift_left3A_369 = arith.constant 13 : i32
    %shift_left3A_370 = vector.broadcast %shift_left3A_369 : i32 to vector<1x8192xi32>
    %shift_left3A_371 = arith.shli %add3A_367, %shift_left3A_370 : vector<1x8192xi32>
    %shift_right_logical3A_372 = arith.constant 19 : i32
    %shift_right_logical3A_373 = vector.broadcast %shift_right_logical3A_372 : i32 to vector<1x8192xi32>
    %shift_right_logical3A_374 = arith.shrui %add3A_367, %shift_right_logical3A_373 : vector<1x8192xi32>
    %or3A_375 = arith.ori %shift_left3A_371, %shift_right_logical3A_374 : vector<1x8192xi32>
    %xor3A_376 = arith.xori %add3A_368, %or3A_375 : vector<1x8192xi32>
    %add3A_377 = arith.addi %add3A_368, %xor3A_376 : vector<1x8192xi32>
    %shift_left3A_378 = arith.constant 15 : i32
    %shift_left3A_379 = vector.broadcast %shift_left3A_378 : i32 to vector<1x8192xi32>
    %shift_left3A_380 = arith.shli %xor3A_376, %shift_left3A_379 : vector<1x8192xi32>
    %shift_right_logical3A_381 = arith.constant 17 : i32
    %shift_right_logical3A_382 = vector.broadcast %shift_right_logical3A_381 : i32 to vector<1x8192xi32>
    %shift_right_logical3A_383 = arith.shrui %xor3A_376, %shift_right_logical3A_382 : vector<1x8192xi32>
    %or3A_384 = arith.ori %shift_left3A_380, %shift_right_logical3A_383 : vector<1x8192xi32>
    %xor3A_385 = arith.xori %add3A_377, %or3A_384 : vector<1x8192xi32>
    %add3A_386 = arith.addi %add3A_377, %xor3A_385 : vector<1x8192xi32>
    %shift_left3A_387 = arith.constant 26 : i32
    %shift_left3A_388 = vector.broadcast %shift_left3A_387 : i32 to vector<1x8192xi32>
    %shift_left3A_389 = arith.shli %xor3A_385, %shift_left3A_388 : vector<1x8192xi32>
    %shift_right_logical3A_390 = arith.constant 6 : i32
    %shift_right_logical3A_391 = vector.broadcast %shift_right_logical3A_390 : i32 to vector<1x8192xi32>
    %shift_right_logical3A_392 = arith.shrui %xor3A_385, %shift_right_logical3A_391 : vector<1x8192xi32>
    %or3A_393 = arith.ori %shift_left3A_389, %shift_right_logical3A_392 : vector<1x8192xi32>
    %xor3A_394 = arith.xori %add3A_386, %or3A_393 : vector<1x8192xi32>
    %add3A_395 = arith.addi %add3A_386, %xor3A_394 : vector<1x8192xi32>
    %shift_left3A_396 = arith.constant 6 : i32
    %shift_left3A_397 = vector.broadcast %shift_left3A_396 : i32 to vector<1x8192xi32>
    %shift_left3A_398 = arith.shli %xor3A_394, %shift_left3A_397 : vector<1x8192xi32>
    %shift_right_logical3A_399 = arith.constant 26 : i32
    %shift_right_logical3A_400 = vector.broadcast %shift_right_logical3A_399 : i32 to vector<1x8192xi32>
    %shift_right_logical3A_401 = arith.shrui %xor3A_394, %shift_right_logical3A_400 : vector<1x8192xi32>
    %or3A_402 = arith.ori %shift_left3A_398, %shift_right_logical3A_401 : vector<1x8192xi32>
    %xor3A_403 = arith.xori %add3A_395, %or3A_402 : vector<1x8192xi32>
    %add3A_404 = vector.broadcast %get3A_11 : i32 to vector<1x8192xi32>
    %add3A_405 = arith.addi %add3A_395, %add3A_404 : vector<1x8192xi32>
    %add3A_406 = vector.broadcast %xor3A_361 : i32 to vector<1x8192xi32>
    %add3A_407 = arith.addi %xor3A_403, %add3A_406 : vector<1x8192xi32>
    %add3A_408 = arith.constant 1 : i32
    %add3A_409 = vector.broadcast %add3A_408 : i32 to vector<1x8192xi32>
    %add3A_410 = arith.addi %add3A_407, %add3A_409 : vector<1x8192xi32>
    %add3A_411 = arith.addi %add3A_405, %add3A_410 : vector<1x8192xi32>
    %shift_left3A_412 = arith.constant 17 : i32
    %shift_left3A_413 = vector.broadcast %shift_left3A_412 : i32 to vector<1x8192xi32>
    %shift_left3A_414 = arith.shli %add3A_410, %shift_left3A_413 : vector<1x8192xi32>
    %shift_right_logical3A_415 = arith.constant 15 : i32
    %shift_right_logical3A_416 = vector.broadcast %shift_right_logical3A_415 : i32 to vector<1x8192xi32>
    %shift_right_logical3A_417 = arith.shrui %add3A_410, %shift_right_logical3A_416 : vector<1x8192xi32>
    %or3A_418 = arith.ori %shift_left3A_414, %shift_right_logical3A_417 : vector<1x8192xi32>
    %xor3A_419 = arith.xori %add3A_411, %or3A_418 : vector<1x8192xi32>
    %add3A_420 = arith.addi %add3A_411, %xor3A_419 : vector<1x8192xi32>
    %shift_left3A_421 = arith.constant 29 : i32
    %shift_left3A_422 = vector.broadcast %shift_left3A_421 : i32 to vector<1x8192xi32>
    %shift_left3A_423 = arith.shli %xor3A_419, %shift_left3A_422 : vector<1x8192xi32>
    %shift_right_logical3A_424 = arith.constant 3 : i32
    %shift_right_logical3A_425 = vector.broadcast %shift_right_logical3A_424 : i32 to vector<1x8192xi32>
    %shift_right_logical3A_426 = arith.shrui %xor3A_419, %shift_right_logical3A_425 : vector<1x8192xi32>
    %or3A_427 = arith.ori %shift_left3A_423, %shift_right_logical3A_426 : vector<1x8192xi32>
    %xor3A_428 = arith.xori %add3A_420, %or3A_427 : vector<1x8192xi32>
    %add3A_429 = arith.addi %add3A_420, %xor3A_428 : vector<1x8192xi32>
    %shift_left3A_430 = arith.constant 16 : i32
    %shift_left3A_431 = vector.broadcast %shift_left3A_430 : i32 to vector<1x8192xi32>
    %shift_left3A_432 = arith.shli %xor3A_428, %shift_left3A_431 : vector<1x8192xi32>
    %shift_right_logical3A_433 = arith.constant 16 : i32
    %shift_right_logical3A_434 = vector.broadcast %shift_right_logical3A_433 : i32 to vector<1x8192xi32>
    %shift_right_logical3A_435 = arith.shrui %xor3A_428, %shift_right_logical3A_434 : vector<1x8192xi32>
    %or3A_436 = arith.ori %shift_left3A_432, %shift_right_logical3A_435 : vector<1x8192xi32>
    %xor3A_437 = arith.xori %add3A_429, %or3A_436 : vector<1x8192xi32>
    %add3A_438 = arith.addi %add3A_429, %xor3A_437 : vector<1x8192xi32>
    %shift_left3A_439 = arith.constant 24 : i32
    %shift_left3A_440 = vector.broadcast %shift_left3A_439 : i32 to vector<1x8192xi32>
    %shift_left3A_441 = arith.shli %xor3A_437, %shift_left3A_440 : vector<1x8192xi32>
    %shift_right_logical3A_442 = arith.constant 8 : i32
    %shift_right_logical3A_443 = vector.broadcast %shift_right_logical3A_442 : i32 to vector<1x8192xi32>
    %shift_right_logical3A_444 = arith.shrui %xor3A_437, %shift_right_logical3A_443 : vector<1x8192xi32>
    %or3A_445 = arith.ori %shift_left3A_441, %shift_right_logical3A_444 : vector<1x8192xi32>
    %xor3A_446 = arith.xori %add3A_438, %or3A_445 : vector<1x8192xi32>
    %add3A_447 = vector.broadcast %xor3A_361 : i32 to vector<1x8192xi32>
    %add3A_448 = arith.addi %add3A_438, %add3A_447 : vector<1x8192xi32>
    %add3A_449 = vector.broadcast %get3A_9 : i32 to vector<1x8192xi32>
    %add3A_450 = arith.addi %xor3A_446, %add3A_449 : vector<1x8192xi32>
    %add3A_451 = arith.constant 2 : i32
    %add3A_452 = vector.broadcast %add3A_451 : i32 to vector<1x8192xi32>
    %add3A_453 = arith.addi %add3A_450, %add3A_452 : vector<1x8192xi32>
    %add3A_454 = arith.addi %add3A_448, %add3A_453 : vector<1x8192xi32>
    %shift_left3A_455 = arith.constant 13 : i32
    %shift_left3A_456 = vector.broadcast %shift_left3A_455 : i32 to vector<1x8192xi32>
    %shift_left3A_457 = arith.shli %add3A_453, %shift_left3A_456 : vector<1x8192xi32>
    %shift_right_logical3A_458 = arith.constant 19 : i32
    %shift_right_logical3A_459 = vector.broadcast %shift_right_logical3A_458 : i32 to vector<1x8192xi32>
    %shift_right_logical3A_460 = arith.shrui %add3A_453, %shift_right_logical3A_459 : vector<1x8192xi32>
    %or3A_461 = arith.ori %shift_left3A_457, %shift_right_logical3A_460 : vector<1x8192xi32>
    %xor3A_462 = arith.xori %add3A_454, %or3A_461 : vector<1x8192xi32>
    %add3A_463 = arith.addi %add3A_454, %xor3A_462 : vector<1x8192xi32>
    %shift_left3A_464 = arith.constant 15 : i32
    %shift_left3A_465 = vector.broadcast %shift_left3A_464 : i32 to vector<1x8192xi32>
    %shift_left3A_466 = arith.shli %xor3A_462, %shift_left3A_465 : vector<1x8192xi32>
    %shift_right_logical3A_467 = arith.constant 17 : i32
    %shift_right_logical3A_468 = vector.broadcast %shift_right_logical3A_467 : i32 to vector<1x8192xi32>
    %shift_right_logical3A_469 = arith.shrui %xor3A_462, %shift_right_logical3A_468 : vector<1x8192xi32>
    %or3A_470 = arith.ori %shift_left3A_466, %shift_right_logical3A_469 : vector<1x8192xi32>
    %xor3A_471 = arith.xori %add3A_463, %or3A_470 : vector<1x8192xi32>
    %add3A_472 = arith.addi %add3A_463, %xor3A_471 : vector<1x8192xi32>
    %shift_left3A_473 = arith.constant 26 : i32
    %shift_left3A_474 = vector.broadcast %shift_left3A_473 : i32 to vector<1x8192xi32>
    %shift_left3A_475 = arith.shli %xor3A_471, %shift_left3A_474 : vector<1x8192xi32>
    %shift_right_logical3A_476 = arith.constant 6 : i32
    %shift_right_logical3A_477 = vector.broadcast %shift_right_logical3A_476 : i32 to vector<1x8192xi32>
    %shift_right_logical3A_478 = arith.shrui %xor3A_471, %shift_right_logical3A_477 : vector<1x8192xi32>
    %or3A_479 = arith.ori %shift_left3A_475, %shift_right_logical3A_478 : vector<1x8192xi32>
    %xor3A_480 = arith.xori %add3A_472, %or3A_479 : vector<1x8192xi32>
    %add3A_481 = arith.addi %add3A_472, %xor3A_480 : vector<1x8192xi32>
    %shift_left3A_482 = arith.constant 6 : i32
    %shift_left3A_483 = vector.broadcast %shift_left3A_482 : i32 to vector<1x8192xi32>
    %shift_left3A_484 = arith.shli %xor3A_480, %shift_left3A_483 : vector<1x8192xi32>
    %shift_right_logical3A_485 = arith.constant 26 : i32
    %shift_right_logical3A_486 = vector.broadcast %shift_right_logical3A_485 : i32 to vector<1x8192xi32>
    %shift_right_logical3A_487 = arith.shrui %xor3A_480, %shift_right_logical3A_486 : vector<1x8192xi32>
    %or3A_488 = arith.ori %shift_left3A_484, %shift_right_logical3A_487 : vector<1x8192xi32>
    %xor3A_489 = arith.xori %add3A_481, %or3A_488 : vector<1x8192xi32>
    %add3A_490 = vector.broadcast %get3A_9 : i32 to vector<1x8192xi32>
    %add3A_491 = arith.addi %add3A_481, %add3A_490 : vector<1x8192xi32>
    %add3A_492 = vector.broadcast %get3A_11 : i32 to vector<1x8192xi32>
    %add3A_493 = arith.addi %xor3A_489, %add3A_492 : vector<1x8192xi32>
    %add3A_494 = arith.constant 3 : i32
    %add3A_495 = vector.broadcast %add3A_494 : i32 to vector<1x8192xi32>
    %add3A_496 = arith.addi %add3A_493, %add3A_495 : vector<1x8192xi32>
    %add3A_497 = arith.addi %add3A_491, %add3A_496 : vector<1x8192xi32>
    %shift_left3A_498 = arith.constant 17 : i32
    %shift_left3A_499 = vector.broadcast %shift_left3A_498 : i32 to vector<1x8192xi32>
    %shift_left3A_500 = arith.shli %add3A_496, %shift_left3A_499 : vector<1x8192xi32>
    %shift_right_logical3A_501 = arith.constant 15 : i32
    %shift_right_logical3A_502 = vector.broadcast %shift_right_logical3A_501 : i32 to vector<1x8192xi32>
    %shift_right_logical3A_503 = arith.shrui %add3A_496, %shift_right_logical3A_502 : vector<1x8192xi32>
    %or3A_504 = arith.ori %shift_left3A_500, %shift_right_logical3A_503 : vector<1x8192xi32>
    %xor3A_505 = arith.xori %add3A_497, %or3A_504 : vector<1x8192xi32>
    %add3A_506 = arith.addi %add3A_497, %xor3A_505 : vector<1x8192xi32>
    %shift_left3A_507 = arith.constant 29 : i32
    %shift_left3A_508 = vector.broadcast %shift_left3A_507 : i32 to vector<1x8192xi32>
    %shift_left3A_509 = arith.shli %xor3A_505, %shift_left3A_508 : vector<1x8192xi32>
    %shift_right_logical3A_510 = arith.constant 3 : i32
    %shift_right_logical3A_511 = vector.broadcast %shift_right_logical3A_510 : i32 to vector<1x8192xi32>
    %shift_right_logical3A_512 = arith.shrui %xor3A_505, %shift_right_logical3A_511 : vector<1x8192xi32>
    %or3A_513 = arith.ori %shift_left3A_509, %shift_right_logical3A_512 : vector<1x8192xi32>
    %xor3A_514 = arith.xori %add3A_506, %or3A_513 : vector<1x8192xi32>
    %add3A_515 = arith.addi %add3A_506, %xor3A_514 : vector<1x8192xi32>
    %shift_left3A_516 = arith.constant 16 : i32
    %shift_left3A_517 = vector.broadcast %shift_left3A_516 : i32 to vector<1x8192xi32>
    %shift_left3A_518 = arith.shli %xor3A_514, %shift_left3A_517 : vector<1x8192xi32>
    %shift_right_logical3A_519 = arith.constant 16 : i32
    %shift_right_logical3A_520 = vector.broadcast %shift_right_logical3A_519 : i32 to vector<1x8192xi32>
    %shift_right_logical3A_521 = arith.shrui %xor3A_514, %shift_right_logical3A_520 : vector<1x8192xi32>
    %or3A_522 = arith.ori %shift_left3A_518, %shift_right_logical3A_521 : vector<1x8192xi32>
    %xor3A_523 = arith.xori %add3A_515, %or3A_522 : vector<1x8192xi32>
    %add3A_524 = arith.addi %add3A_515, %xor3A_523 : vector<1x8192xi32>
    %shift_left3A_525 = arith.constant 24 : i32
    %shift_left3A_526 = vector.broadcast %shift_left3A_525 : i32 to vector<1x8192xi32>
    %shift_left3A_527 = arith.shli %xor3A_523, %shift_left3A_526 : vector<1x8192xi32>
    %shift_right_logical3A_528 = arith.constant 8 : i32
    %shift_right_logical3A_529 = vector.broadcast %shift_right_logical3A_528 : i32 to vector<1x8192xi32>
    %shift_right_logical3A_530 = arith.shrui %xor3A_523, %shift_right_logical3A_529 : vector<1x8192xi32>
    %or3A_531 = arith.ori %shift_left3A_527, %shift_right_logical3A_530 : vector<1x8192xi32>
    %xor3A_532 = arith.xori %add3A_524, %or3A_531 : vector<1x8192xi32>
    %add3A_533 = vector.broadcast %get3A_11 : i32 to vector<1x8192xi32>
    %add3A_534 = arith.addi %add3A_524, %add3A_533 : vector<1x8192xi32>
    %add3A_535 = vector.broadcast %xor3A_361 : i32 to vector<1x8192xi32>
    %add3A_536 = arith.addi %xor3A_532, %add3A_535 : vector<1x8192xi32>
    %add3A_537 = arith.constant 4 : i32
    %add3A_538 = vector.broadcast %add3A_537 : i32 to vector<1x8192xi32>
    %add3A_539 = arith.addi %add3A_536, %add3A_538 : vector<1x8192xi32>
    %add3A_540 = arith.addi %add3A_534, %add3A_539 : vector<1x8192xi32>
    %shift_left3A_541 = arith.constant 13 : i32
    %shift_left3A_542 = vector.broadcast %shift_left3A_541 : i32 to vector<1x8192xi32>
    %shift_left3A_543 = arith.shli %add3A_539, %shift_left3A_542 : vector<1x8192xi32>
    %shift_right_logical3A_544 = arith.constant 19 : i32
    %shift_right_logical3A_545 = vector.broadcast %shift_right_logical3A_544 : i32 to vector<1x8192xi32>
    %shift_right_logical3A_546 = arith.shrui %add3A_539, %shift_right_logical3A_545 : vector<1x8192xi32>
    %or3A_547 = arith.ori %shift_left3A_543, %shift_right_logical3A_546 : vector<1x8192xi32>
    %xor3A_548 = arith.xori %add3A_540, %or3A_547 : vector<1x8192xi32>
    %add3A_549 = arith.addi %add3A_540, %xor3A_548 : vector<1x8192xi32>
    %shift_left3A_550 = arith.constant 15 : i32
    %shift_left3A_551 = vector.broadcast %shift_left3A_550 : i32 to vector<1x8192xi32>
    %shift_left3A_552 = arith.shli %xor3A_548, %shift_left3A_551 : vector<1x8192xi32>
    %shift_right_logical3A_553 = arith.constant 17 : i32
    %shift_right_logical3A_554 = vector.broadcast %shift_right_logical3A_553 : i32 to vector<1x8192xi32>
    %shift_right_logical3A_555 = arith.shrui %xor3A_548, %shift_right_logical3A_554 : vector<1x8192xi32>
    %or3A_556 = arith.ori %shift_left3A_552, %shift_right_logical3A_555 : vector<1x8192xi32>
    %xor3A_557 = arith.xori %add3A_549, %or3A_556 : vector<1x8192xi32>
    %add3A_558 = arith.addi %add3A_549, %xor3A_557 : vector<1x8192xi32>
    %shift_left3A_559 = arith.constant 26 : i32
    %shift_left3A_560 = vector.broadcast %shift_left3A_559 : i32 to vector<1x8192xi32>
    %shift_left3A_561 = arith.shli %xor3A_557, %shift_left3A_560 : vector<1x8192xi32>
    %shift_right_logical3A_562 = arith.constant 6 : i32
    %shift_right_logical3A_563 = vector.broadcast %shift_right_logical3A_562 : i32 to vector<1x8192xi32>
    %shift_right_logical3A_564 = arith.shrui %xor3A_557, %shift_right_logical3A_563 : vector<1x8192xi32>
    %or3A_565 = arith.ori %shift_left3A_561, %shift_right_logical3A_564 : vector<1x8192xi32>
    %xor3A_566 = arith.xori %add3A_558, %or3A_565 : vector<1x8192xi32>
    %add3A_567 = arith.addi %add3A_558, %xor3A_566 : vector<1x8192xi32>
    %shift_left3A_568 = arith.constant 6 : i32
    %shift_left3A_569 = vector.broadcast %shift_left3A_568 : i32 to vector<1x8192xi32>
    %shift_left3A_570 = arith.shli %xor3A_566, %shift_left3A_569 : vector<1x8192xi32>
    %shift_right_logical3A_571 = arith.constant 26 : i32
    %shift_right_logical3A_572 = vector.broadcast %shift_right_logical3A_571 : i32 to vector<1x8192xi32>
    %shift_right_logical3A_573 = arith.shrui %xor3A_566, %shift_right_logical3A_572 : vector<1x8192xi32>
    %or3A_574 = arith.ori %shift_left3A_570, %shift_right_logical3A_573 : vector<1x8192xi32>
    %xor3A_575 = arith.xori %add3A_567, %or3A_574 : vector<1x8192xi32>
    %add3A_576 = vector.broadcast %xor3A_361 : i32 to vector<1x8192xi32>
    %add3A_577 = arith.addi %add3A_567, %add3A_576 : vector<1x8192xi32>
    %add3A_578 = vector.broadcast %get3A_9 : i32 to vector<1x8192xi32>
    %add3A_579 = arith.addi %xor3A_575, %add3A_578 : vector<1x8192xi32>
    %add3A_580 = arith.constant 5 : i32
    %add3A_581 = vector.broadcast %add3A_580 : i32 to vector<1x8192xi32>
    %add3A_582 = arith.addi %add3A_579, %add3A_581 : vector<1x8192xi32>
    %xor3A_583 = arith.xori %add3A_577, %add3A_582 : vector<1x8192xi32>
    %shift_right_logical3A_584 = arith.constant 9 : i32
    %shift_right_logical3A_585 = vector.broadcast %shift_right_logical3A_584 : i32 to vector<1x8192xi32>
    %shift_right_logical3A_586 = arith.shrui %xor3A_583, %shift_right_logical3A_585 : vector<1x8192xi32>
    %or3A_587 = arith.constant 1065353216 : i32
    %or3A_588 = vector.broadcast %or3A_587 : i32 to vector<1x8192xi32>
    %or3A_589 = arith.ori %shift_right_logical3A_586, %or3A_588 : vector<1x8192xi32>
    %bitcast_convert_type3A_590 = tpu.bitcast %or3A_589 : vector<1x8192xi32> -> vector<1x8192xf32>
    %sub3A_591 = arith.constant 1.000000e+00 : f32
    %sub3A_592 = vector.broadcast %sub3A_591 : f32 to vector<1x8192xf32>
    %sub3A_593 = arith.subf %bitcast_convert_type3A_590, %sub3A_592 : vector<1x8192xf32>
    %mul3A_594 = arith.constant 2.000000e+00 : f32
    %mul3A_595 = vector.broadcast %mul3A_594 : f32 to vector<1x8192xf32>
    %mul3A_596 = arith.mulf %sub3A_593, %mul3A_595 : vector<1x8192xf32>
    %add3A_597 = arith.constant -0.99999994 : f32
    %add3A_598 = vector.broadcast %add3A_597 : f32 to vector<1x8192xf32>
    %add3A_599 = arith.addf %mul3A_596, %add3A_598 : vector<1x8192xf32>
    %max3A_600 = arith.constant -0.99999994 : f32
    %max3A_601 = vector.broadcast %max3A_600 : f32 to vector<1x8192xf32>
    %max3A_602 = arith.maximumf %max3A_601, %add3A_599 : vector<1x8192xf32>
    %erf_inv3A_603 = arith.constant 0.000000e+00 : f32
    %erf_inv3A_604 = vector.broadcast %erf_inv3A_603 : f32 to vector<1x8192xf32>
    %erf_inv3A_605 = arith.subf %erf_inv3A_604, %max3A_602 : vector<1x8192xf32>
    %erf_inv3A_606 = arith.mulf %max3A_602, %erf_inv3A_605 : vector<1x8192xf32>
    %erf_inv3A_607 = math.log1p %erf_inv3A_606 : vector<1x8192xf32>
    %erf_inv3A_608 = arith.constant 0.000000e+00 : f32
    %erf_inv3A_609 = vector.broadcast %erf_inv3A_608 : f32 to vector<1x8192xf32>
    %erf_inv3A_610 = arith.subf %erf_inv3A_609, %erf_inv3A_607 : vector<1x8192xf32>
    %erf_inv3A_611 = arith.constant 5.000000e+00 : f32
    %erf_inv3A_612 = vector.broadcast %erf_inv3A_611 : f32 to vector<1x8192xf32>
    %erf_inv3A_613 = arith.cmpf olt, %erf_inv3A_610, %erf_inv3A_612 : vector<1x8192xf32>
    %erf_inv3A_614 = arith.constant 2.500000e+00 : f32
    %erf_inv3A_615 = vector.broadcast %erf_inv3A_614 : f32 to vector<1x8192xf32>
    %erf_inv3A_616 = arith.subf %erf_inv3A_610, %erf_inv3A_615 : vector<1x8192xf32>
    %erf_inv3A_617 = math.sqrt %erf_inv3A_610 : vector<1x8192xf32>
    %erf_inv3A_618 = arith.constant 3.000000e+00 : f32
    %erf_inv3A_619 = vector.broadcast %erf_inv3A_618 : f32 to vector<1x8192xf32>
    %erf_inv3A_620 = arith.subf %erf_inv3A_617, %erf_inv3A_619 : vector<1x8192xf32>
    %erf_inv3A_621 = arith.select %erf_inv3A_613, %erf_inv3A_616, %erf_inv3A_620 : vector<1x8192xi1>, vector<1x8192xf32>
    %erf_inv3A_622 = arith.constant 2.81022636E-8 : f32
    %erf_inv3A_623 = arith.constant -2.00214257E-4 : f32
    %erf_inv3A_624 = vector.broadcast %erf_inv3A_622 : f32 to vector<1x8192xf32>
    %erf_inv3A_625 = vector.broadcast %erf_inv3A_623 : f32 to vector<1x8192xf32>
    %erf_inv3A_626 = arith.select %erf_inv3A_613, %erf_inv3A_624, %erf_inv3A_625 : vector<1x8192xi1>, vector<1x8192xf32>
    %erf_inv3A_627 = arith.constant 3.43273939E-7 : f32
    %erf_inv3A_628 = arith.constant 1.00950558E-4 : f32
    %erf_inv3A_629 = vector.broadcast %erf_inv3A_627 : f32 to vector<1x8192xf32>
    %erf_inv3A_630 = vector.broadcast %erf_inv3A_628 : f32 to vector<1x8192xf32>
    %erf_inv3A_631 = arith.select %erf_inv3A_613, %erf_inv3A_629, %erf_inv3A_630 : vector<1x8192xi1>, vector<1x8192xf32>
    %erf_inv3A_632 = arith.mulf %erf_inv3A_626, %erf_inv3A_621 : vector<1x8192xf32>
    %erf_inv3A_633 = arith.addf %erf_inv3A_631, %erf_inv3A_632 : vector<1x8192xf32>
    %erf_inv3A_634 = arith.constant -3.5233877E-6 : f32
    %erf_inv3A_635 = arith.constant 0.00134934322 : f32
    %erf_inv3A_636 = vector.broadcast %erf_inv3A_634 : f32 to vector<1x8192xf32>
    %erf_inv3A_637 = vector.broadcast %erf_inv3A_635 : f32 to vector<1x8192xf32>
    %erf_inv3A_638 = arith.select %erf_inv3A_613, %erf_inv3A_636, %erf_inv3A_637 : vector<1x8192xi1>, vector<1x8192xf32>
    %erf_inv3A_639 = arith.mulf %erf_inv3A_633, %erf_inv3A_621 : vector<1x8192xf32>
    %erf_inv3A_640 = arith.addf %erf_inv3A_638, %erf_inv3A_639 : vector<1x8192xf32>
    %erf_inv3A_641 = arith.constant -4.39150654E-6 : f32
    %erf_inv3A_642 = arith.constant -0.00367342844 : f32
    %erf_inv3A_643 = vector.broadcast %erf_inv3A_641 : f32 to vector<1x8192xf32>
    %erf_inv3A_644 = vector.broadcast %erf_inv3A_642 : f32 to vector<1x8192xf32>
    %erf_inv3A_645 = arith.select %erf_inv3A_613, %erf_inv3A_643, %erf_inv3A_644 : vector<1x8192xi1>, vector<1x8192xf32>
    %erf_inv3A_646 = arith.mulf %erf_inv3A_640, %erf_inv3A_621 : vector<1x8192xf32>
    %erf_inv3A_647 = arith.addf %erf_inv3A_645, %erf_inv3A_646 : vector<1x8192xf32>
    %erf_inv3A_648 = arith.constant 2.1858087E-4 : f32
    %erf_inv3A_649 = arith.constant 0.00573950773 : f32
    %erf_inv3A_650 = vector.broadcast %erf_inv3A_648 : f32 to vector<1x8192xf32>
    %erf_inv3A_651 = vector.broadcast %erf_inv3A_649 : f32 to vector<1x8192xf32>
    %erf_inv3A_652 = arith.select %erf_inv3A_613, %erf_inv3A_650, %erf_inv3A_651 : vector<1x8192xi1>, vector<1x8192xf32>
    %erf_inv3A_653 = arith.mulf %erf_inv3A_647, %erf_inv3A_621 : vector<1x8192xf32>
    %erf_inv3A_654 = arith.addf %erf_inv3A_652, %erf_inv3A_653 : vector<1x8192xf32>
    %erf_inv3A_655 = arith.constant -0.00125372503 : f32
    %erf_inv3A_656 = arith.constant -0.0076224613 : f32
    %erf_inv3A_657 = vector.broadcast %erf_inv3A_655 : f32 to vector<1x8192xf32>
    %erf_inv3A_658 = vector.broadcast %erf_inv3A_656 : f32 to vector<1x8192xf32>
    %erf_inv3A_659 = arith.select %erf_inv3A_613, %erf_inv3A_657, %erf_inv3A_658 : vector<1x8192xi1>, vector<1x8192xf32>
    %erf_inv3A_660 = arith.mulf %erf_inv3A_654, %erf_inv3A_621 : vector<1x8192xf32>
    %erf_inv3A_661 = arith.addf %erf_inv3A_659, %erf_inv3A_660 : vector<1x8192xf32>
    %erf_inv3A_662 = arith.constant -0.00417768164 : f32
    %erf_inv3A_663 = arith.constant 0.00943887047 : f32
    %erf_inv3A_664 = vector.broadcast %erf_inv3A_662 : f32 to vector<1x8192xf32>
    %erf_inv3A_665 = vector.broadcast %erf_inv3A_663 : f32 to vector<1x8192xf32>
    %erf_inv3A_666 = arith.select %erf_inv3A_613, %erf_inv3A_664, %erf_inv3A_665 : vector<1x8192xi1>, vector<1x8192xf32>
    %erf_inv3A_667 = arith.mulf %erf_inv3A_661, %erf_inv3A_621 : vector<1x8192xf32>
    %erf_inv3A_668 = arith.addf %erf_inv3A_666, %erf_inv3A_667 : vector<1x8192xf32>
    %erf_inv3A_669 = arith.constant 0.246640727 : f32
    %erf_inv3A_670 = arith.constant 1.00167406 : f32
    %erf_inv3A_671 = vector.broadcast %erf_inv3A_669 : f32 to vector<1x8192xf32>
    %erf_inv3A_672 = vector.broadcast %erf_inv3A_670 : f32 to vector<1x8192xf32>
    %erf_inv3A_673 = arith.select %erf_inv3A_613, %erf_inv3A_671, %erf_inv3A_672 : vector<1x8192xi1>, vector<1x8192xf32>
    %erf_inv3A_674 = arith.mulf %erf_inv3A_668, %erf_inv3A_621 : vector<1x8192xf32>
    %erf_inv3A_675 = arith.addf %erf_inv3A_673, %erf_inv3A_674 : vector<1x8192xf32>
    %erf_inv3A_676 = arith.constant 1.50140941 : f32
    %erf_inv3A_677 = arith.constant 2.83297682 : f32
    %erf_inv3A_678 = vector.broadcast %erf_inv3A_676 : f32 to vector<1x8192xf32>
    %erf_inv3A_679 = vector.broadcast %erf_inv3A_677 : f32 to vector<1x8192xf32>
    %erf_inv3A_680 = arith.select %erf_inv3A_613, %erf_inv3A_678, %erf_inv3A_679 : vector<1x8192xi1>, vector<1x8192xf32>
    %erf_inv3A_681 = arith.mulf %erf_inv3A_675, %erf_inv3A_621 : vector<1x8192xf32>
    %erf_inv3A_682 = arith.addf %erf_inv3A_680, %erf_inv3A_681 : vector<1x8192xf32>
    %erf_inv3A_683 = math.absf %max3A_602 : vector<1x8192xf32>
    %erf_inv3A_684 = arith.constant 1.000000e+00 : f32
    %erf_inv3A_685 = vector.broadcast %erf_inv3A_684 : f32 to vector<1x8192xf32>
    %erf_inv3A_686 = arith.cmpf oeq, %erf_inv3A_683, %erf_inv3A_685 : vector<1x8192xf32>
    %erf_inv3A_687 = arith.constant 0x7F800000 : f32
    %erf_inv3A_688 = vector.broadcast %erf_inv3A_687 : f32 to vector<1x8192xf32>
    %erf_inv3A_689 = arith.mulf %erf_inv3A_688, %max3A_602 : vector<1x8192xf32>
    %erf_inv3A_690 = arith.mulf %erf_inv3A_682, %max3A_602 : vector<1x8192xf32>
    %erf_inv3A_691 = arith.select %erf_inv3A_686, %erf_inv3A_689, %erf_inv3A_690 : vector<1x8192xi1>, vector<1x8192xf32>
    %mul3A_692 = arith.constant 1.41421354 : f32
    %mul3A_693 = vector.broadcast %mul3A_692 : f32 to vector<1x8192xf32>
    %mul3A_694 = arith.mulf %mul3A_693, %erf_inv3A_691 : vector<1x8192xf32>
    %custom_jvp_call3A_695 = arith.constant 0.000000e+00 : f32
    %max3A_696 = vector.broadcast %custom_jvp_call3A_695 : f32 to vector<20x8192xf32>
    %max3A_697 = arith.maximumf %slice3A_19, %max3A_696 : vector<20x8192xf32>
    %sub3A_698 = vector.broadcast %custom_jvp_call3A_695 : f32 to vector<20x8192xf32>
    %sub3A_699 = arith.subf %slice3A_19, %sub3A_698 : vector<20x8192xf32>
    %ne3A_700 = arith.cmpf one, %sub3A_699, %sub3A_699 : vector<20x8192xf32>
    %add3A_701 = vector.broadcast %custom_jvp_call3A_695 : f32 to vector<20x8192xf32>
    %add3A_702 = arith.addf %slice3A_19, %add3A_701 : vector<20x8192xf32>
    %abs3A_703 = math.absf %sub3A_699 : vector<20x8192xf32>
    %neg3A_704 = arith.constant 0.000000e+00 : f32
    %neg3A_705 = vector.broadcast %neg3A_704 : f32 to vector<20x8192xf32>
    %neg3A_706 = arith.subf %neg3A_705, %abs3A_703 : vector<20x8192xf32>
    %exp3A_707 = math.exp %neg3A_706 : vector<20x8192xf32>
    %log1p3A_708 = math.log1p %exp3A_707 : vector<20x8192xf32>
    %add3A_709 = arith.addf %max3A_697, %log1p3A_708 : vector<20x8192xf32>
    %select_n3A_710 = arith.select %ne3A_700, %add3A_702, %add3A_709 : vector<20x8192xi1>, vector<20x8192xf32>
    %mul3A_711 = arith.mulf %select_n3A_710, %mul3A_358 : vector<20x8192xf32>
    %add3A_712 = arith.addf %slice3A, %mul3A_711 : vector<20x8192xf32>
    %custom_jvp_call3A_713 = arith.constant 0.000000e+00 : f32
    %max3A_714 = vector.broadcast %custom_jvp_call3A_713 : f32 to vector<1x8192xf32>
    %max3A_715 = arith.maximumf %slice3A_21, %max3A_714 : vector<1x8192xf32>
    %sub3A_716 = vector.broadcast %custom_jvp_call3A_713 : f32 to vector<1x8192xf32>
    %sub3A_717 = arith.subf %slice3A_21, %sub3A_716 : vector<1x8192xf32>
    %ne3A_718 = arith.cmpf one, %sub3A_717, %sub3A_717 : vector<1x8192xf32>
    %add3A_719 = vector.broadcast %custom_jvp_call3A_713 : f32 to vector<1x8192xf32>
    %add3A_720 = arith.addf %slice3A_21, %add3A_719 : vector<1x8192xf32>
    %abs3A_721 = math.absf %sub3A_717 : vector<1x8192xf32>
    %neg3A_722 = arith.constant 0.000000e+00 : f32
    %neg3A_723 = vector.broadcast %neg3A_722 : f32 to vector<1x8192xf32>
    %neg3A_724 = arith.subf %neg3A_723, %abs3A_721 : vector<1x8192xf32>
    %exp3A_725 = math.exp %neg3A_724 : vector<1x8192xf32>
    %log1p3A_726 = math.log1p %exp3A_725 : vector<1x8192xf32>
    %add3A_727 = arith.addf %max3A_715, %log1p3A_726 : vector<1x8192xf32>
    %select_n3A_728 = arith.select %ne3A_718, %add3A_720, %add3A_727 : vector<1x8192xi1>, vector<1x8192xf32>
    %mul3A_729 = arith.mulf %select_n3A_728, %mul3A_694 : vector<1x8192xf32>
    %add3A_730 = arith.addf %slice3A_20, %mul3A_729 : vector<1x8192xf32>
    %get3A_731 = arith.constant 0 : index
    %get3A_732 = arith.constant 0 : index
    %get3A_733 = vector.load %arg4[%get3A_731, %get3A_732] : memref<8192x128xf32, #tpu.memory_space<vmem>>, vector<8192x128xf32>
    %transpose3A_734 = tpu.transpose %get3A_733, [1, 0] : vector<8192x128xf32> -> vector<128x8192xf32>
    %slice3A_735 = vector.extract_strided_slice %transpose3A_734 {offsets = [0, 0], sizes = [20, 8192], strides = [1, 1]} : vector<128x8192xf32> to vector<20x8192xf32>
    %slice3A_736 = vector.extract_strided_slice %transpose3A_734 {offsets = [20, 0], sizes = [20, 8192], strides = [1, 1]} : vector<128x8192xf32> to vector<20x8192xf32>
    %slice3A_737 = vector.extract_strided_slice %transpose3A_734 {offsets = [40, 0], sizes = [1, 8192], strides = [1, 1]} : vector<128x8192xf32> to vector<1x8192xf32>
    %slice3A_738 = vector.extract_strided_slice %transpose3A_734 {offsets = [41, 0], sizes = [1, 8192], strides = [1, 1]} : vector<128x8192xf32> to vector<1x8192xf32>
    %get3A_739 = arith.constant 0 : index
    %get3A_740 = arith.constant 0 : index
    %get3A_741 = vector.load %arg6[%get3A_739, %get3A_740] : memref<1x8192xi32, #tpu.memory_space<vmem>>, vector<1x8192xi32>
    %mul3A_742 = arith.constant 20 : i32
    %mul3A_743 = vector.broadcast %mul3A_742 : i32 to vector<1x8192xi32>
    %mul3A_744 = arith.muli %get3A_741, %mul3A_743 : vector<1x8192xi32>
    %iota3A_745 = tpu.iota {dimensions = array<i32: 0>} : vector<20x8192xi32>
    %add3A_746 = vector.broadcast %mul3A_744 : vector<1x8192xi32> to vector<20x8192xi32>
    %add3A_747 = arith.addi %add3A_746, %iota3A_745 : vector<20x8192xi32>
    %xor3A_748 = arith.xori %get3A_13, %get3A_15 : i32
    %xor3A_749 = arith.constant 466688986 : i32
    %xor3A_750 = arith.xori %xor3A_748, %xor3A_749 : i32
    %broadcast_in_dim3A_751 = arith.constant 0 : i32
    %broadcast_in_dim3A_752 = vector.broadcast %broadcast_in_dim3A_751 : i32 to vector<20x8192xi32>
    %add3A_753 = vector.broadcast %get3A_13 : i32 to vector<20x8192xi32>
    %add3A_754 = arith.addi %broadcast_in_dim3A_752, %add3A_753 : vector<20x8192xi32>
    %add3A_755 = vector.broadcast %get3A_15 : i32 to vector<20x8192xi32>
    %add3A_756 = arith.addi %add3A_747, %add3A_755 : vector<20x8192xi32>
    %add3A_757 = arith.addi %add3A_754, %add3A_756 : vector<20x8192xi32>
    %shift_left3A_758 = arith.constant 13 : i32
    %shift_left3A_759 = vector.broadcast %shift_left3A_758 : i32 to vector<20x8192xi32>
    %shift_left3A_760 = arith.shli %add3A_756, %shift_left3A_759 : vector<20x8192xi32>
    %shift_right_logical3A_761 = arith.constant 19 : i32
    %shift_right_logical3A_762 = vector.broadcast %shift_right_logical3A_761 : i32 to vector<20x8192xi32>
    %shift_right_logical3A_763 = arith.shrui %add3A_756, %shift_right_logical3A_762 : vector<20x8192xi32>
    %or3A_764 = arith.ori %shift_left3A_760, %shift_right_logical3A_763 : vector<20x8192xi32>
    %xor3A_765 = arith.xori %add3A_757, %or3A_764 : vector<20x8192xi32>
    %add3A_766 = arith.addi %add3A_757, %xor3A_765 : vector<20x8192xi32>
    %shift_left3A_767 = arith.constant 15 : i32
    %shift_left3A_768 = vector.broadcast %shift_left3A_767 : i32 to vector<20x8192xi32>
    %shift_left3A_769 = arith.shli %xor3A_765, %shift_left3A_768 : vector<20x8192xi32>
    %shift_right_logical3A_770 = arith.constant 17 : i32
    %shift_right_logical3A_771 = vector.broadcast %shift_right_logical3A_770 : i32 to vector<20x8192xi32>
    %shift_right_logical3A_772 = arith.shrui %xor3A_765, %shift_right_logical3A_771 : vector<20x8192xi32>
    %or3A_773 = arith.ori %shift_left3A_769, %shift_right_logical3A_772 : vector<20x8192xi32>
    %xor3A_774 = arith.xori %add3A_766, %or3A_773 : vector<20x8192xi32>
    %add3A_775 = arith.addi %add3A_766, %xor3A_774 : vector<20x8192xi32>
    %shift_left3A_776 = arith.constant 26 : i32
    %shift_left3A_777 = vector.broadcast %shift_left3A_776 : i32 to vector<20x8192xi32>
    %shift_left3A_778 = arith.shli %xor3A_774, %shift_left3A_777 : vector<20x8192xi32>
    %shift_right_logical3A_779 = arith.constant 6 : i32
    %shift_right_logical3A_780 = vector.broadcast %shift_right_logical3A_779 : i32 to vector<20x8192xi32>
    %shift_right_logical3A_781 = arith.shrui %xor3A_774, %shift_right_logical3A_780 : vector<20x8192xi32>
    %or3A_782 = arith.ori %shift_left3A_778, %shift_right_logical3A_781 : vector<20x8192xi32>
    %xor3A_783 = arith.xori %add3A_775, %or3A_782 : vector<20x8192xi32>
    %add3A_784 = arith.addi %add3A_775, %xor3A_783 : vector<20x8192xi32>
    %shift_left3A_785 = arith.constant 6 : i32
    %shift_left3A_786 = vector.broadcast %shift_left3A_785 : i32 to vector<20x8192xi32>
    %shift_left3A_787 = arith.shli %xor3A_783, %shift_left3A_786 : vector<20x8192xi32>
    %shift_right_logical3A_788 = arith.constant 26 : i32
    %shift_right_logical3A_789 = vector.broadcast %shift_right_logical3A_788 : i32 to vector<20x8192xi32>
    %shift_right_logical3A_790 = arith.shrui %xor3A_783, %shift_right_logical3A_789 : vector<20x8192xi32>
    %or3A_791 = arith.ori %shift_left3A_787, %shift_right_logical3A_790 : vector<20x8192xi32>
    %xor3A_792 = arith.xori %add3A_784, %or3A_791 : vector<20x8192xi32>
    %add3A_793 = vector.broadcast %get3A_15 : i32 to vector<20x8192xi32>
    %add3A_794 = arith.addi %add3A_784, %add3A_793 : vector<20x8192xi32>
    %add3A_795 = vector.broadcast %xor3A_750 : i32 to vector<20x8192xi32>
    %add3A_796 = arith.addi %xor3A_792, %add3A_795 : vector<20x8192xi32>
    %add3A_797 = arith.constant 1 : i32
    %add3A_798 = vector.broadcast %add3A_797 : i32 to vector<20x8192xi32>
    %add3A_799 = arith.addi %add3A_796, %add3A_798 : vector<20x8192xi32>
    %add3A_800 = arith.addi %add3A_794, %add3A_799 : vector<20x8192xi32>
    %shift_left3A_801 = arith.constant 17 : i32
    %shift_left3A_802 = vector.broadcast %shift_left3A_801 : i32 to vector<20x8192xi32>
    %shift_left3A_803 = arith.shli %add3A_799, %shift_left3A_802 : vector<20x8192xi32>
    %shift_right_logical3A_804 = arith.constant 15 : i32
    %shift_right_logical3A_805 = vector.broadcast %shift_right_logical3A_804 : i32 to vector<20x8192xi32>
    %shift_right_logical3A_806 = arith.shrui %add3A_799, %shift_right_logical3A_805 : vector<20x8192xi32>
    %or3A_807 = arith.ori %shift_left3A_803, %shift_right_logical3A_806 : vector<20x8192xi32>
    %xor3A_808 = arith.xori %add3A_800, %or3A_807 : vector<20x8192xi32>
    %add3A_809 = arith.addi %add3A_800, %xor3A_808 : vector<20x8192xi32>
    %shift_left3A_810 = arith.constant 29 : i32
    %shift_left3A_811 = vector.broadcast %shift_left3A_810 : i32 to vector<20x8192xi32>
    %shift_left3A_812 = arith.shli %xor3A_808, %shift_left3A_811 : vector<20x8192xi32>
    %shift_right_logical3A_813 = arith.constant 3 : i32
    %shift_right_logical3A_814 = vector.broadcast %shift_right_logical3A_813 : i32 to vector<20x8192xi32>
    %shift_right_logical3A_815 = arith.shrui %xor3A_808, %shift_right_logical3A_814 : vector<20x8192xi32>
    %or3A_816 = arith.ori %shift_left3A_812, %shift_right_logical3A_815 : vector<20x8192xi32>
    %xor3A_817 = arith.xori %add3A_809, %or3A_816 : vector<20x8192xi32>
    %add3A_818 = arith.addi %add3A_809, %xor3A_817 : vector<20x8192xi32>
    %shift_left3A_819 = arith.constant 16 : i32
    %shift_left3A_820 = vector.broadcast %shift_left3A_819 : i32 to vector<20x8192xi32>
    %shift_left3A_821 = arith.shli %xor3A_817, %shift_left3A_820 : vector<20x8192xi32>
    %shift_right_logical3A_822 = arith.constant 16 : i32
    %shift_right_logical3A_823 = vector.broadcast %shift_right_logical3A_822 : i32 to vector<20x8192xi32>
    %shift_right_logical3A_824 = arith.shrui %xor3A_817, %shift_right_logical3A_823 : vector<20x8192xi32>
    %or3A_825 = arith.ori %shift_left3A_821, %shift_right_logical3A_824 : vector<20x8192xi32>
    %xor3A_826 = arith.xori %add3A_818, %or3A_825 : vector<20x8192xi32>
    %add3A_827 = arith.addi %add3A_818, %xor3A_826 : vector<20x8192xi32>
    %shift_left3A_828 = arith.constant 24 : i32
    %shift_left3A_829 = vector.broadcast %shift_left3A_828 : i32 to vector<20x8192xi32>
    %shift_left3A_830 = arith.shli %xor3A_826, %shift_left3A_829 : vector<20x8192xi32>
    %shift_right_logical3A_831 = arith.constant 8 : i32
    %shift_right_logical3A_832 = vector.broadcast %shift_right_logical3A_831 : i32 to vector<20x8192xi32>
    %shift_right_logical3A_833 = arith.shrui %xor3A_826, %shift_right_logical3A_832 : vector<20x8192xi32>
    %or3A_834 = arith.ori %shift_left3A_830, %shift_right_logical3A_833 : vector<20x8192xi32>
    %xor3A_835 = arith.xori %add3A_827, %or3A_834 : vector<20x8192xi32>
    %add3A_836 = vector.broadcast %xor3A_750 : i32 to vector<20x8192xi32>
    %add3A_837 = arith.addi %add3A_827, %add3A_836 : vector<20x8192xi32>
    %add3A_838 = vector.broadcast %get3A_13 : i32 to vector<20x8192xi32>
    %add3A_839 = arith.addi %xor3A_835, %add3A_838 : vector<20x8192xi32>
    %add3A_840 = arith.constant 2 : i32
    %add3A_841 = vector.broadcast %add3A_840 : i32 to vector<20x8192xi32>
    %add3A_842 = arith.addi %add3A_839, %add3A_841 : vector<20x8192xi32>
    %add3A_843 = arith.addi %add3A_837, %add3A_842 : vector<20x8192xi32>
    %shift_left3A_844 = arith.constant 13 : i32
    %shift_left3A_845 = vector.broadcast %shift_left3A_844 : i32 to vector<20x8192xi32>
    %shift_left3A_846 = arith.shli %add3A_842, %shift_left3A_845 : vector<20x8192xi32>
    %shift_right_logical3A_847 = arith.constant 19 : i32
    %shift_right_logical3A_848 = vector.broadcast %shift_right_logical3A_847 : i32 to vector<20x8192xi32>
    %shift_right_logical3A_849 = arith.shrui %add3A_842, %shift_right_logical3A_848 : vector<20x8192xi32>
    %or3A_850 = arith.ori %shift_left3A_846, %shift_right_logical3A_849 : vector<20x8192xi32>
    %xor3A_851 = arith.xori %add3A_843, %or3A_850 : vector<20x8192xi32>
    %add3A_852 = arith.addi %add3A_843, %xor3A_851 : vector<20x8192xi32>
    %shift_left3A_853 = arith.constant 15 : i32
    %shift_left3A_854 = vector.broadcast %shift_left3A_853 : i32 to vector<20x8192xi32>
    %shift_left3A_855 = arith.shli %xor3A_851, %shift_left3A_854 : vector<20x8192xi32>
    %shift_right_logical3A_856 = arith.constant 17 : i32
    %shift_right_logical3A_857 = vector.broadcast %shift_right_logical3A_856 : i32 to vector<20x8192xi32>
    %shift_right_logical3A_858 = arith.shrui %xor3A_851, %shift_right_logical3A_857 : vector<20x8192xi32>
    %or3A_859 = arith.ori %shift_left3A_855, %shift_right_logical3A_858 : vector<20x8192xi32>
    %xor3A_860 = arith.xori %add3A_852, %or3A_859 : vector<20x8192xi32>
    %add3A_861 = arith.addi %add3A_852, %xor3A_860 : vector<20x8192xi32>
    %shift_left3A_862 = arith.constant 26 : i32
    %shift_left3A_863 = vector.broadcast %shift_left3A_862 : i32 to vector<20x8192xi32>
    %shift_left3A_864 = arith.shli %xor3A_860, %shift_left3A_863 : vector<20x8192xi32>
    %shift_right_logical3A_865 = arith.constant 6 : i32
    %shift_right_logical3A_866 = vector.broadcast %shift_right_logical3A_865 : i32 to vector<20x8192xi32>
    %shift_right_logical3A_867 = arith.shrui %xor3A_860, %shift_right_logical3A_866 : vector<20x8192xi32>
    %or3A_868 = arith.ori %shift_left3A_864, %shift_right_logical3A_867 : vector<20x8192xi32>
    %xor3A_869 = arith.xori %add3A_861, %or3A_868 : vector<20x8192xi32>
    %add3A_870 = arith.addi %add3A_861, %xor3A_869 : vector<20x8192xi32>
    %shift_left3A_871 = arith.constant 6 : i32
    %shift_left3A_872 = vector.broadcast %shift_left3A_871 : i32 to vector<20x8192xi32>
    %shift_left3A_873 = arith.shli %xor3A_869, %shift_left3A_872 : vector<20x8192xi32>
    %shift_right_logical3A_874 = arith.constant 26 : i32
    %shift_right_logical3A_875 = vector.broadcast %shift_right_logical3A_874 : i32 to vector<20x8192xi32>
    %shift_right_logical3A_876 = arith.shrui %xor3A_869, %shift_right_logical3A_875 : vector<20x8192xi32>
    %or3A_877 = arith.ori %shift_left3A_873, %shift_right_logical3A_876 : vector<20x8192xi32>
    %xor3A_878 = arith.xori %add3A_870, %or3A_877 : vector<20x8192xi32>
    %add3A_879 = vector.broadcast %get3A_13 : i32 to vector<20x8192xi32>
    %add3A_880 = arith.addi %add3A_870, %add3A_879 : vector<20x8192xi32>
    %add3A_881 = vector.broadcast %get3A_15 : i32 to vector<20x8192xi32>
    %add3A_882 = arith.addi %xor3A_878, %add3A_881 : vector<20x8192xi32>
    %add3A_883 = arith.constant 3 : i32
    %add3A_884 = vector.broadcast %add3A_883 : i32 to vector<20x8192xi32>
    %add3A_885 = arith.addi %add3A_882, %add3A_884 : vector<20x8192xi32>
    %add3A_886 = arith.addi %add3A_880, %add3A_885 : vector<20x8192xi32>
    %shift_left3A_887 = arith.constant 17 : i32
    %shift_left3A_888 = vector.broadcast %shift_left3A_887 : i32 to vector<20x8192xi32>
    %shift_left3A_889 = arith.shli %add3A_885, %shift_left3A_888 : vector<20x8192xi32>
    %shift_right_logical3A_890 = arith.constant 15 : i32
    %shift_right_logical3A_891 = vector.broadcast %shift_right_logical3A_890 : i32 to vector<20x8192xi32>
    %shift_right_logical3A_892 = arith.shrui %add3A_885, %shift_right_logical3A_891 : vector<20x8192xi32>
    %or3A_893 = arith.ori %shift_left3A_889, %shift_right_logical3A_892 : vector<20x8192xi32>
    %xor3A_894 = arith.xori %add3A_886, %or3A_893 : vector<20x8192xi32>
    %add3A_895 = arith.addi %add3A_886, %xor3A_894 : vector<20x8192xi32>
    %shift_left3A_896 = arith.constant 29 : i32
    %shift_left3A_897 = vector.broadcast %shift_left3A_896 : i32 to vector<20x8192xi32>
    %shift_left3A_898 = arith.shli %xor3A_894, %shift_left3A_897 : vector<20x8192xi32>
    %shift_right_logical3A_899 = arith.constant 3 : i32
    %shift_right_logical3A_900 = vector.broadcast %shift_right_logical3A_899 : i32 to vector<20x8192xi32>
    %shift_right_logical3A_901 = arith.shrui %xor3A_894, %shift_right_logical3A_900 : vector<20x8192xi32>
    %or3A_902 = arith.ori %shift_left3A_898, %shift_right_logical3A_901 : vector<20x8192xi32>
    %xor3A_903 = arith.xori %add3A_895, %or3A_902 : vector<20x8192xi32>
    %add3A_904 = arith.addi %add3A_895, %xor3A_903 : vector<20x8192xi32>
    %shift_left3A_905 = arith.constant 16 : i32
    %shift_left3A_906 = vector.broadcast %shift_left3A_905 : i32 to vector<20x8192xi32>
    %shift_left3A_907 = arith.shli %xor3A_903, %shift_left3A_906 : vector<20x8192xi32>
    %shift_right_logical3A_908 = arith.constant 16 : i32
    %shift_right_logical3A_909 = vector.broadcast %shift_right_logical3A_908 : i32 to vector<20x8192xi32>
    %shift_right_logical3A_910 = arith.shrui %xor3A_903, %shift_right_logical3A_909 : vector<20x8192xi32>
    %or3A_911 = arith.ori %shift_left3A_907, %shift_right_logical3A_910 : vector<20x8192xi32>
    %xor3A_912 = arith.xori %add3A_904, %or3A_911 : vector<20x8192xi32>
    %add3A_913 = arith.addi %add3A_904, %xor3A_912 : vector<20x8192xi32>
    %shift_left3A_914 = arith.constant 24 : i32
    %shift_left3A_915 = vector.broadcast %shift_left3A_914 : i32 to vector<20x8192xi32>
    %shift_left3A_916 = arith.shli %xor3A_912, %shift_left3A_915 : vector<20x8192xi32>
    %shift_right_logical3A_917 = arith.constant 8 : i32
    %shift_right_logical3A_918 = vector.broadcast %shift_right_logical3A_917 : i32 to vector<20x8192xi32>
    %shift_right_logical3A_919 = arith.shrui %xor3A_912, %shift_right_logical3A_918 : vector<20x8192xi32>
    %or3A_920 = arith.ori %shift_left3A_916, %shift_right_logical3A_919 : vector<20x8192xi32>
    %xor3A_921 = arith.xori %add3A_913, %or3A_920 : vector<20x8192xi32>
    %add3A_922 = vector.broadcast %get3A_15 : i32 to vector<20x8192xi32>
    %add3A_923 = arith.addi %add3A_913, %add3A_922 : vector<20x8192xi32>
    %add3A_924 = vector.broadcast %xor3A_750 : i32 to vector<20x8192xi32>
    %add3A_925 = arith.addi %xor3A_921, %add3A_924 : vector<20x8192xi32>
    %add3A_926 = arith.constant 4 : i32
    %add3A_927 = vector.broadcast %add3A_926 : i32 to vector<20x8192xi32>
    %add3A_928 = arith.addi %add3A_925, %add3A_927 : vector<20x8192xi32>
    %add3A_929 = arith.addi %add3A_923, %add3A_928 : vector<20x8192xi32>
    %shift_left3A_930 = arith.constant 13 : i32
    %shift_left3A_931 = vector.broadcast %shift_left3A_930 : i32 to vector<20x8192xi32>
    %shift_left3A_932 = arith.shli %add3A_928, %shift_left3A_931 : vector<20x8192xi32>
    %shift_right_logical3A_933 = arith.constant 19 : i32
    %shift_right_logical3A_934 = vector.broadcast %shift_right_logical3A_933 : i32 to vector<20x8192xi32>
    %shift_right_logical3A_935 = arith.shrui %add3A_928, %shift_right_logical3A_934 : vector<20x8192xi32>
    %or3A_936 = arith.ori %shift_left3A_932, %shift_right_logical3A_935 : vector<20x8192xi32>
    %xor3A_937 = arith.xori %add3A_929, %or3A_936 : vector<20x8192xi32>
    %add3A_938 = arith.addi %add3A_929, %xor3A_937 : vector<20x8192xi32>
    %shift_left3A_939 = arith.constant 15 : i32
    %shift_left3A_940 = vector.broadcast %shift_left3A_939 : i32 to vector<20x8192xi32>
    %shift_left3A_941 = arith.shli %xor3A_937, %shift_left3A_940 : vector<20x8192xi32>
    %shift_right_logical3A_942 = arith.constant 17 : i32
    %shift_right_logical3A_943 = vector.broadcast %shift_right_logical3A_942 : i32 to vector<20x8192xi32>
    %shift_right_logical3A_944 = arith.shrui %xor3A_937, %shift_right_logical3A_943 : vector<20x8192xi32>
    %or3A_945 = arith.ori %shift_left3A_941, %shift_right_logical3A_944 : vector<20x8192xi32>
    %xor3A_946 = arith.xori %add3A_938, %or3A_945 : vector<20x8192xi32>
    %add3A_947 = arith.addi %add3A_938, %xor3A_946 : vector<20x8192xi32>
    %shift_left3A_948 = arith.constant 26 : i32
    %shift_left3A_949 = vector.broadcast %shift_left3A_948 : i32 to vector<20x8192xi32>
    %shift_left3A_950 = arith.shli %xor3A_946, %shift_left3A_949 : vector<20x8192xi32>
    %shift_right_logical3A_951 = arith.constant 6 : i32
    %shift_right_logical3A_952 = vector.broadcast %shift_right_logical3A_951 : i32 to vector<20x8192xi32>
    %shift_right_logical3A_953 = arith.shrui %xor3A_946, %shift_right_logical3A_952 : vector<20x8192xi32>
    %or3A_954 = arith.ori %shift_left3A_950, %shift_right_logical3A_953 : vector<20x8192xi32>
    %xor3A_955 = arith.xori %add3A_947, %or3A_954 : vector<20x8192xi32>
    %add3A_956 = arith.addi %add3A_947, %xor3A_955 : vector<20x8192xi32>
    %shift_left3A_957 = arith.constant 6 : i32
    %shift_left3A_958 = vector.broadcast %shift_left3A_957 : i32 to vector<20x8192xi32>
    %shift_left3A_959 = arith.shli %xor3A_955, %shift_left3A_958 : vector<20x8192xi32>
    %shift_right_logical3A_960 = arith.constant 26 : i32
    %shift_right_logical3A_961 = vector.broadcast %shift_right_logical3A_960 : i32 to vector<20x8192xi32>
    %shift_right_logical3A_962 = arith.shrui %xor3A_955, %shift_right_logical3A_961 : vector<20x8192xi32>
    %or3A_963 = arith.ori %shift_left3A_959, %shift_right_logical3A_962 : vector<20x8192xi32>
    %xor3A_964 = arith.xori %add3A_956, %or3A_963 : vector<20x8192xi32>
    %add3A_965 = vector.broadcast %xor3A_750 : i32 to vector<20x8192xi32>
    %add3A_966 = arith.addi %add3A_956, %add3A_965 : vector<20x8192xi32>
    %add3A_967 = vector.broadcast %get3A_13 : i32 to vector<20x8192xi32>
    %add3A_968 = arith.addi %xor3A_964, %add3A_967 : vector<20x8192xi32>
    %add3A_969 = arith.constant 5 : i32
    %add3A_970 = vector.broadcast %add3A_969 : i32 to vector<20x8192xi32>
    %add3A_971 = arith.addi %add3A_968, %add3A_970 : vector<20x8192xi32>
    %xor3A_972 = arith.xori %add3A_966, %add3A_971 : vector<20x8192xi32>
    %shift_right_logical3A_973 = arith.constant 9 : i32
    %shift_right_logical3A_974 = vector.broadcast %shift_right_logical3A_973 : i32 to vector<20x8192xi32>
    %shift_right_logical3A_975 = arith.shrui %xor3A_972, %shift_right_logical3A_974 : vector<20x8192xi32>
    %or3A_976 = arith.constant 1065353216 : i32
    %or3A_977 = vector.broadcast %or3A_976 : i32 to vector<20x8192xi32>
    %or3A_978 = arith.ori %shift_right_logical3A_975, %or3A_977 : vector<20x8192xi32>
    %bitcast_convert_type3A_979 = tpu.bitcast %or3A_978 : vector<20x8192xi32> -> vector<20x8192xf32>
    %sub3A_980 = arith.constant 1.000000e+00 : f32
    %sub3A_981 = vector.broadcast %sub3A_980 : f32 to vector<20x8192xf32>
    %sub3A_982 = arith.subf %bitcast_convert_type3A_979, %sub3A_981 : vector<20x8192xf32>
    %mul3A_983 = arith.constant 2.000000e+00 : f32
    %mul3A_984 = vector.broadcast %mul3A_983 : f32 to vector<20x8192xf32>
    %mul3A_985 = arith.mulf %sub3A_982, %mul3A_984 : vector<20x8192xf32>
    %add3A_986 = arith.constant -0.99999994 : f32
    %add3A_987 = vector.broadcast %add3A_986 : f32 to vector<20x8192xf32>
    %add3A_988 = arith.addf %mul3A_985, %add3A_987 : vector<20x8192xf32>
    %max3A_989 = arith.constant -0.99999994 : f32
    %max3A_990 = vector.broadcast %max3A_989 : f32 to vector<20x8192xf32>
    %max3A_991 = arith.maximumf %max3A_990, %add3A_988 : vector<20x8192xf32>
    %erf_inv3A_992 = arith.constant 0.000000e+00 : f32
    %erf_inv3A_993 = vector.broadcast %erf_inv3A_992 : f32 to vector<20x8192xf32>
    %erf_inv3A_994 = arith.subf %erf_inv3A_993, %max3A_991 : vector<20x8192xf32>
    %erf_inv3A_995 = arith.mulf %max3A_991, %erf_inv3A_994 : vector<20x8192xf32>
    %erf_inv3A_996 = math.log1p %erf_inv3A_995 : vector<20x8192xf32>
    %erf_inv3A_997 = arith.constant 0.000000e+00 : f32
    %erf_inv3A_998 = vector.broadcast %erf_inv3A_997 : f32 to vector<20x8192xf32>
    %erf_inv3A_999 = arith.subf %erf_inv3A_998, %erf_inv3A_996 : vector<20x8192xf32>
    %erf_inv3A_1000 = arith.constant 5.000000e+00 : f32
    %erf_inv3A_1001 = vector.broadcast %erf_inv3A_1000 : f32 to vector<20x8192xf32>
    %erf_inv3A_1002 = arith.cmpf olt, %erf_inv3A_999, %erf_inv3A_1001 : vector<20x8192xf32>
    %erf_inv3A_1003 = arith.constant 2.500000e+00 : f32
    %erf_inv3A_1004 = vector.broadcast %erf_inv3A_1003 : f32 to vector<20x8192xf32>
    %erf_inv3A_1005 = arith.subf %erf_inv3A_999, %erf_inv3A_1004 : vector<20x8192xf32>
    %erf_inv3A_1006 = math.sqrt %erf_inv3A_999 : vector<20x8192xf32>
    %erf_inv3A_1007 = arith.constant 3.000000e+00 : f32
    %erf_inv3A_1008 = vector.broadcast %erf_inv3A_1007 : f32 to vector<20x8192xf32>
    %erf_inv3A_1009 = arith.subf %erf_inv3A_1006, %erf_inv3A_1008 : vector<20x8192xf32>
    %erf_inv3A_1010 = arith.select %erf_inv3A_1002, %erf_inv3A_1005, %erf_inv3A_1009 : vector<20x8192xi1>, vector<20x8192xf32>
    %erf_inv3A_1011 = arith.constant 2.81022636E-8 : f32
    %erf_inv3A_1012 = arith.constant -2.00214257E-4 : f32
    %erf_inv3A_1013 = vector.broadcast %erf_inv3A_1011 : f32 to vector<20x8192xf32>
    %erf_inv3A_1014 = vector.broadcast %erf_inv3A_1012 : f32 to vector<20x8192xf32>
    %erf_inv3A_1015 = arith.select %erf_inv3A_1002, %erf_inv3A_1013, %erf_inv3A_1014 : vector<20x8192xi1>, vector<20x8192xf32>
    %erf_inv3A_1016 = arith.constant 3.43273939E-7 : f32
    %erf_inv3A_1017 = arith.constant 1.00950558E-4 : f32
    %erf_inv3A_1018 = vector.broadcast %erf_inv3A_1016 : f32 to vector<20x8192xf32>
    %erf_inv3A_1019 = vector.broadcast %erf_inv3A_1017 : f32 to vector<20x8192xf32>
    %erf_inv3A_1020 = arith.select %erf_inv3A_1002, %erf_inv3A_1018, %erf_inv3A_1019 : vector<20x8192xi1>, vector<20x8192xf32>
    %erf_inv3A_1021 = arith.mulf %erf_inv3A_1015, %erf_inv3A_1010 : vector<20x8192xf32>
    %erf_inv3A_1022 = arith.addf %erf_inv3A_1020, %erf_inv3A_1021 : vector<20x8192xf32>
    %erf_inv3A_1023 = arith.constant -3.5233877E-6 : f32
    %erf_inv3A_1024 = arith.constant 0.00134934322 : f32
    %erf_inv3A_1025 = vector.broadcast %erf_inv3A_1023 : f32 to vector<20x8192xf32>
    %erf_inv3A_1026 = vector.broadcast %erf_inv3A_1024 : f32 to vector<20x8192xf32>
    %erf_inv3A_1027 = arith.select %erf_inv3A_1002, %erf_inv3A_1025, %erf_inv3A_1026 : vector<20x8192xi1>, vector<20x8192xf32>
    %erf_inv3A_1028 = arith.mulf %erf_inv3A_1022, %erf_inv3A_1010 : vector<20x8192xf32>
    %erf_inv3A_1029 = arith.addf %erf_inv3A_1027, %erf_inv3A_1028 : vector<20x8192xf32>
    %erf_inv3A_1030 = arith.constant -4.39150654E-6 : f32
    %erf_inv3A_1031 = arith.constant -0.00367342844 : f32
    %erf_inv3A_1032 = vector.broadcast %erf_inv3A_1030 : f32 to vector<20x8192xf32>
    %erf_inv3A_1033 = vector.broadcast %erf_inv3A_1031 : f32 to vector<20x8192xf32>
    %erf_inv3A_1034 = arith.select %erf_inv3A_1002, %erf_inv3A_1032, %erf_inv3A_1033 : vector<20x8192xi1>, vector<20x8192xf32>
    %erf_inv3A_1035 = arith.mulf %erf_inv3A_1029, %erf_inv3A_1010 : vector<20x8192xf32>
    %erf_inv3A_1036 = arith.addf %erf_inv3A_1034, %erf_inv3A_1035 : vector<20x8192xf32>
    %erf_inv3A_1037 = arith.constant 2.1858087E-4 : f32
    %erf_inv3A_1038 = arith.constant 0.00573950773 : f32
    %erf_inv3A_1039 = vector.broadcast %erf_inv3A_1037 : f32 to vector<20x8192xf32>
    %erf_inv3A_1040 = vector.broadcast %erf_inv3A_1038 : f32 to vector<20x8192xf32>
    %erf_inv3A_1041 = arith.select %erf_inv3A_1002, %erf_inv3A_1039, %erf_inv3A_1040 : vector<20x8192xi1>, vector<20x8192xf32>
    %erf_inv3A_1042 = arith.mulf %erf_inv3A_1036, %erf_inv3A_1010 : vector<20x8192xf32>
    %erf_inv3A_1043 = arith.addf %erf_inv3A_1041, %erf_inv3A_1042 : vector<20x8192xf32>
    %erf_inv3A_1044 = arith.constant -0.00125372503 : f32
    %erf_inv3A_1045 = arith.constant -0.0076224613 : f32
    %erf_inv3A_1046 = vector.broadcast %erf_inv3A_1044 : f32 to vector<20x8192xf32>
    %erf_inv3A_1047 = vector.broadcast %erf_inv3A_1045 : f32 to vector<20x8192xf32>
    %erf_inv3A_1048 = arith.select %erf_inv3A_1002, %erf_inv3A_1046, %erf_inv3A_1047 : vector<20x8192xi1>, vector<20x8192xf32>
    %erf_inv3A_1049 = arith.mulf %erf_inv3A_1043, %erf_inv3A_1010 : vector<20x8192xf32>
    %erf_inv3A_1050 = arith.addf %erf_inv3A_1048, %erf_inv3A_1049 : vector<20x8192xf32>
    %erf_inv3A_1051 = arith.constant -0.00417768164 : f32
    %erf_inv3A_1052 = arith.constant 0.00943887047 : f32
    %erf_inv3A_1053 = vector.broadcast %erf_inv3A_1051 : f32 to vector<20x8192xf32>
    %erf_inv3A_1054 = vector.broadcast %erf_inv3A_1052 : f32 to vector<20x8192xf32>
    %erf_inv3A_1055 = arith.select %erf_inv3A_1002, %erf_inv3A_1053, %erf_inv3A_1054 : vector<20x8192xi1>, vector<20x8192xf32>
    %erf_inv3A_1056 = arith.mulf %erf_inv3A_1050, %erf_inv3A_1010 : vector<20x8192xf32>
    %erf_inv3A_1057 = arith.addf %erf_inv3A_1055, %erf_inv3A_1056 : vector<20x8192xf32>
    %erf_inv3A_1058 = arith.constant 0.246640727 : f32
    %erf_inv3A_1059 = arith.constant 1.00167406 : f32
    %erf_inv3A_1060 = vector.broadcast %erf_inv3A_1058 : f32 to vector<20x8192xf32>
    %erf_inv3A_1061 = vector.broadcast %erf_inv3A_1059 : f32 to vector<20x8192xf32>
    %erf_inv3A_1062 = arith.select %erf_inv3A_1002, %erf_inv3A_1060, %erf_inv3A_1061 : vector<20x8192xi1>, vector<20x8192xf32>
    %erf_inv3A_1063 = arith.mulf %erf_inv3A_1057, %erf_inv3A_1010 : vector<20x8192xf32>
    %erf_inv3A_1064 = arith.addf %erf_inv3A_1062, %erf_inv3A_1063 : vector<20x8192xf32>
    %erf_inv3A_1065 = arith.constant 1.50140941 : f32
    %erf_inv3A_1066 = arith.constant 2.83297682 : f32
    %erf_inv3A_1067 = vector.broadcast %erf_inv3A_1065 : f32 to vector<20x8192xf32>
    %erf_inv3A_1068 = vector.broadcast %erf_inv3A_1066 : f32 to vector<20x8192xf32>
    %erf_inv3A_1069 = arith.select %erf_inv3A_1002, %erf_inv3A_1067, %erf_inv3A_1068 : vector<20x8192xi1>, vector<20x8192xf32>
    %erf_inv3A_1070 = arith.mulf %erf_inv3A_1064, %erf_inv3A_1010 : vector<20x8192xf32>
    %erf_inv3A_1071 = arith.addf %erf_inv3A_1069, %erf_inv3A_1070 : vector<20x8192xf32>
    %erf_inv3A_1072 = math.absf %max3A_991 : vector<20x8192xf32>
    %erf_inv3A_1073 = arith.constant 1.000000e+00 : f32
    %erf_inv3A_1074 = vector.broadcast %erf_inv3A_1073 : f32 to vector<20x8192xf32>
    %erf_inv3A_1075 = arith.cmpf oeq, %erf_inv3A_1072, %erf_inv3A_1074 : vector<20x8192xf32>
    %erf_inv3A_1076 = arith.constant 0x7F800000 : f32
    %erf_inv3A_1077 = vector.broadcast %erf_inv3A_1076 : f32 to vector<20x8192xf32>
    %erf_inv3A_1078 = arith.mulf %erf_inv3A_1077, %max3A_991 : vector<20x8192xf32>
    %erf_inv3A_1079 = arith.mulf %erf_inv3A_1071, %max3A_991 : vector<20x8192xf32>
    %erf_inv3A_1080 = arith.select %erf_inv3A_1075, %erf_inv3A_1078, %erf_inv3A_1079 : vector<20x8192xi1>, vector<20x8192xf32>
    %mul3A_1081 = arith.constant 1.41421354 : f32
    %mul3A_1082 = vector.broadcast %mul3A_1081 : f32 to vector<20x8192xf32>
    %mul3A_1083 = arith.mulf %mul3A_1082, %erf_inv3A_1080 : vector<20x8192xf32>
    %xor3A_1084 = arith.xori %get3A_9, %get3A_11 : i32
    %xor3A_1085 = arith.constant 466688986 : i32
    %xor3A_1086 = arith.xori %xor3A_1084, %xor3A_1085 : i32
    %broadcast_in_dim3A_1087 = arith.constant 0 : i32
    %broadcast_in_dim3A_1088 = vector.broadcast %broadcast_in_dim3A_1087 : i32 to vector<1x8192xi32>
    %add3A_1089 = vector.broadcast %get3A_9 : i32 to vector<1x8192xi32>
    %add3A_1090 = arith.addi %broadcast_in_dim3A_1088, %add3A_1089 : vector<1x8192xi32>
    %add3A_1091 = vector.broadcast %get3A_11 : i32 to vector<1x8192xi32>
    %add3A_1092 = arith.addi %get3A_741, %add3A_1091 : vector<1x8192xi32>
    %add3A_1093 = arith.addi %add3A_1090, %add3A_1092 : vector<1x8192xi32>
    %shift_left3A_1094 = arith.constant 13 : i32
    %shift_left3A_1095 = vector.broadcast %shift_left3A_1094 : i32 to vector<1x8192xi32>
    %shift_left3A_1096 = arith.shli %add3A_1092, %shift_left3A_1095 : vector<1x8192xi32>
    %shift_right_logical3A_1097 = arith.constant 19 : i32
    %shift_right_logical3A_1098 = vector.broadcast %shift_right_logical3A_1097 : i32 to vector<1x8192xi32>
    %shift_right_logical3A_1099 = arith.shrui %add3A_1092, %shift_right_logical3A_1098 : vector<1x8192xi32>
    %or3A_1100 = arith.ori %shift_left3A_1096, %shift_right_logical3A_1099 : vector<1x8192xi32>
    %xor3A_1101 = arith.xori %add3A_1093, %or3A_1100 : vector<1x8192xi32>
    %add3A_1102 = arith.addi %add3A_1093, %xor3A_1101 : vector<1x8192xi32>
    %shift_left3A_1103 = arith.constant 15 : i32
    %shift_left3A_1104 = vector.broadcast %shift_left3A_1103 : i32 to vector<1x8192xi32>
    %shift_left3A_1105 = arith.shli %xor3A_1101, %shift_left3A_1104 : vector<1x8192xi32>
    %shift_right_logical3A_1106 = arith.constant 17 : i32
    %shift_right_logical3A_1107 = vector.broadcast %shift_right_logical3A_1106 : i32 to vector<1x8192xi32>
    %shift_right_logical3A_1108 = arith.shrui %xor3A_1101, %shift_right_logical3A_1107 : vector<1x8192xi32>
    %or3A_1109 = arith.ori %shift_left3A_1105, %shift_right_logical3A_1108 : vector<1x8192xi32>
    %xor3A_1110 = arith.xori %add3A_1102, %or3A_1109 : vector<1x8192xi32>
    %add3A_1111 = arith.addi %add3A_1102, %xor3A_1110 : vector<1x8192xi32>
    %shift_left3A_1112 = arith.constant 26 : i32
    %shift_left3A_1113 = vector.broadcast %shift_left3A_1112 : i32 to vector<1x8192xi32>
    %shift_left3A_1114 = arith.shli %xor3A_1110, %shift_left3A_1113 : vector<1x8192xi32>
    %shift_right_logical3A_1115 = arith.constant 6 : i32
    %shift_right_logical3A_1116 = vector.broadcast %shift_right_logical3A_1115 : i32 to vector<1x8192xi32>
    %shift_right_logical3A_1117 = arith.shrui %xor3A_1110, %shift_right_logical3A_1116 : vector<1x8192xi32>
    %or3A_1118 = arith.ori %shift_left3A_1114, %shift_right_logical3A_1117 : vector<1x8192xi32>
    %xor3A_1119 = arith.xori %add3A_1111, %or3A_1118 : vector<1x8192xi32>
    %add3A_1120 = arith.addi %add3A_1111, %xor3A_1119 : vector<1x8192xi32>
    %shift_left3A_1121 = arith.constant 6 : i32
    %shift_left3A_1122 = vector.broadcast %shift_left3A_1121 : i32 to vector<1x8192xi32>
    %shift_left3A_1123 = arith.shli %xor3A_1119, %shift_left3A_1122 : vector<1x8192xi32>
    %shift_right_logical3A_1124 = arith.constant 26 : i32
    %shift_right_logical3A_1125 = vector.broadcast %shift_right_logical3A_1124 : i32 to vector<1x8192xi32>
    %shift_right_logical3A_1126 = arith.shrui %xor3A_1119, %shift_right_logical3A_1125 : vector<1x8192xi32>
    %or3A_1127 = arith.ori %shift_left3A_1123, %shift_right_logical3A_1126 : vector<1x8192xi32>
    %xor3A_1128 = arith.xori %add3A_1120, %or3A_1127 : vector<1x8192xi32>
    %add3A_1129 = vector.broadcast %get3A_11 : i32 to vector<1x8192xi32>
    %add3A_1130 = arith.addi %add3A_1120, %add3A_1129 : vector<1x8192xi32>
    %add3A_1131 = vector.broadcast %xor3A_1086 : i32 to vector<1x8192xi32>
    %add3A_1132 = arith.addi %xor3A_1128, %add3A_1131 : vector<1x8192xi32>
    %add3A_1133 = arith.constant 1 : i32
    %add3A_1134 = vector.broadcast %add3A_1133 : i32 to vector<1x8192xi32>
    %add3A_1135 = arith.addi %add3A_1132, %add3A_1134 : vector<1x8192xi32>
    %add3A_1136 = arith.addi %add3A_1130, %add3A_1135 : vector<1x8192xi32>
    %shift_left3A_1137 = arith.constant 17 : i32
    %shift_left3A_1138 = vector.broadcast %shift_left3A_1137 : i32 to vector<1x8192xi32>
    %shift_left3A_1139 = arith.shli %add3A_1135, %shift_left3A_1138 : vector<1x8192xi32>
    %shift_right_logical3A_1140 = arith.constant 15 : i32
    %shift_right_logical3A_1141 = vector.broadcast %shift_right_logical3A_1140 : i32 to vector<1x8192xi32>
    %shift_right_logical3A_1142 = arith.shrui %add3A_1135, %shift_right_logical3A_1141 : vector<1x8192xi32>
    %or3A_1143 = arith.ori %shift_left3A_1139, %shift_right_logical3A_1142 : vector<1x8192xi32>
    %xor3A_1144 = arith.xori %add3A_1136, %or3A_1143 : vector<1x8192xi32>
    %add3A_1145 = arith.addi %add3A_1136, %xor3A_1144 : vector<1x8192xi32>
    %shift_left3A_1146 = arith.constant 29 : i32
    %shift_left3A_1147 = vector.broadcast %shift_left3A_1146 : i32 to vector<1x8192xi32>
    %shift_left3A_1148 = arith.shli %xor3A_1144, %shift_left3A_1147 : vector<1x8192xi32>
    %shift_right_logical3A_1149 = arith.constant 3 : i32
    %shift_right_logical3A_1150 = vector.broadcast %shift_right_logical3A_1149 : i32 to vector<1x8192xi32>
    %shift_right_logical3A_1151 = arith.shrui %xor3A_1144, %shift_right_logical3A_1150 : vector<1x8192xi32>
    %or3A_1152 = arith.ori %shift_left3A_1148, %shift_right_logical3A_1151 : vector<1x8192xi32>
    %xor3A_1153 = arith.xori %add3A_1145, %or3A_1152 : vector<1x8192xi32>
    %add3A_1154 = arith.addi %add3A_1145, %xor3A_1153 : vector<1x8192xi32>
    %shift_left3A_1155 = arith.constant 16 : i32
    %shift_left3A_1156 = vector.broadcast %shift_left3A_1155 : i32 to vector<1x8192xi32>
    %shift_left3A_1157 = arith.shli %xor3A_1153, %shift_left3A_1156 : vector<1x8192xi32>
    %shift_right_logical3A_1158 = arith.constant 16 : i32
    %shift_right_logical3A_1159 = vector.broadcast %shift_right_logical3A_1158 : i32 to vector<1x8192xi32>
    %shift_right_logical3A_1160 = arith.shrui %xor3A_1153, %shift_right_logical3A_1159 : vector<1x8192xi32>
    %or3A_1161 = arith.ori %shift_left3A_1157, %shift_right_logical3A_1160 : vector<1x8192xi32>
    %xor3A_1162 = arith.xori %add3A_1154, %or3A_1161 : vector<1x8192xi32>
    %add3A_1163 = arith.addi %add3A_1154, %xor3A_1162 : vector<1x8192xi32>
    %shift_left3A_1164 = arith.constant 24 : i32
    %shift_left3A_1165 = vector.broadcast %shift_left3A_1164 : i32 to vector<1x8192xi32>
    %shift_left3A_1166 = arith.shli %xor3A_1162, %shift_left3A_1165 : vector<1x8192xi32>
    %shift_right_logical3A_1167 = arith.constant 8 : i32
    %shift_right_logical3A_1168 = vector.broadcast %shift_right_logical3A_1167 : i32 to vector<1x8192xi32>
    %shift_right_logical3A_1169 = arith.shrui %xor3A_1162, %shift_right_logical3A_1168 : vector<1x8192xi32>
    %or3A_1170 = arith.ori %shift_left3A_1166, %shift_right_logical3A_1169 : vector<1x8192xi32>
    %xor3A_1171 = arith.xori %add3A_1163, %or3A_1170 : vector<1x8192xi32>
    %add3A_1172 = vector.broadcast %xor3A_1086 : i32 to vector<1x8192xi32>
    %add3A_1173 = arith.addi %add3A_1163, %add3A_1172 : vector<1x8192xi32>
    %add3A_1174 = vector.broadcast %get3A_9 : i32 to vector<1x8192xi32>
    %add3A_1175 = arith.addi %xor3A_1171, %add3A_1174 : vector<1x8192xi32>
    %add3A_1176 = arith.constant 2 : i32
    %add3A_1177 = vector.broadcast %add3A_1176 : i32 to vector<1x8192xi32>
    %add3A_1178 = arith.addi %add3A_1175, %add3A_1177 : vector<1x8192xi32>
    %add3A_1179 = arith.addi %add3A_1173, %add3A_1178 : vector<1x8192xi32>
    %shift_left3A_1180 = arith.constant 13 : i32
    %shift_left3A_1181 = vector.broadcast %shift_left3A_1180 : i32 to vector<1x8192xi32>
    %shift_left3A_1182 = arith.shli %add3A_1178, %shift_left3A_1181 : vector<1x8192xi32>
    %shift_right_logical3A_1183 = arith.constant 19 : i32
    %shift_right_logical3A_1184 = vector.broadcast %shift_right_logical3A_1183 : i32 to vector<1x8192xi32>
    %shift_right_logical3A_1185 = arith.shrui %add3A_1178, %shift_right_logical3A_1184 : vector<1x8192xi32>
    %or3A_1186 = arith.ori %shift_left3A_1182, %shift_right_logical3A_1185 : vector<1x8192xi32>
    %xor3A_1187 = arith.xori %add3A_1179, %or3A_1186 : vector<1x8192xi32>
    %add3A_1188 = arith.addi %add3A_1179, %xor3A_1187 : vector<1x8192xi32>
    %shift_left3A_1189 = arith.constant 15 : i32
    %shift_left3A_1190 = vector.broadcast %shift_left3A_1189 : i32 to vector<1x8192xi32>
    %shift_left3A_1191 = arith.shli %xor3A_1187, %shift_left3A_1190 : vector<1x8192xi32>
    %shift_right_logical3A_1192 = arith.constant 17 : i32
    %shift_right_logical3A_1193 = vector.broadcast %shift_right_logical3A_1192 : i32 to vector<1x8192xi32>
    %shift_right_logical3A_1194 = arith.shrui %xor3A_1187, %shift_right_logical3A_1193 : vector<1x8192xi32>
    %or3A_1195 = arith.ori %shift_left3A_1191, %shift_right_logical3A_1194 : vector<1x8192xi32>
    %xor3A_1196 = arith.xori %add3A_1188, %or3A_1195 : vector<1x8192xi32>
    %add3A_1197 = arith.addi %add3A_1188, %xor3A_1196 : vector<1x8192xi32>
    %shift_left3A_1198 = arith.constant 26 : i32
    %shift_left3A_1199 = vector.broadcast %shift_left3A_1198 : i32 to vector<1x8192xi32>
    %shift_left3A_1200 = arith.shli %xor3A_1196, %shift_left3A_1199 : vector<1x8192xi32>
    %shift_right_logical3A_1201 = arith.constant 6 : i32
    %shift_right_logical3A_1202 = vector.broadcast %shift_right_logical3A_1201 : i32 to vector<1x8192xi32>
    %shift_right_logical3A_1203 = arith.shrui %xor3A_1196, %shift_right_logical3A_1202 : vector<1x8192xi32>
    %or3A_1204 = arith.ori %shift_left3A_1200, %shift_right_logical3A_1203 : vector<1x8192xi32>
    %xor3A_1205 = arith.xori %add3A_1197, %or3A_1204 : vector<1x8192xi32>
    %add3A_1206 = arith.addi %add3A_1197, %xor3A_1205 : vector<1x8192xi32>
    %shift_left3A_1207 = arith.constant 6 : i32
    %shift_left3A_1208 = vector.broadcast %shift_left3A_1207 : i32 to vector<1x8192xi32>
    %shift_left3A_1209 = arith.shli %xor3A_1205, %shift_left3A_1208 : vector<1x8192xi32>
    %shift_right_logical3A_1210 = arith.constant 26 : i32
    %shift_right_logical3A_1211 = vector.broadcast %shift_right_logical3A_1210 : i32 to vector<1x8192xi32>
    %shift_right_logical3A_1212 = arith.shrui %xor3A_1205, %shift_right_logical3A_1211 : vector<1x8192xi32>
    %or3A_1213 = arith.ori %shift_left3A_1209, %shift_right_logical3A_1212 : vector<1x8192xi32>
    %xor3A_1214 = arith.xori %add3A_1206, %or3A_1213 : vector<1x8192xi32>
    %add3A_1215 = vector.broadcast %get3A_9 : i32 to vector<1x8192xi32>
    %add3A_1216 = arith.addi %add3A_1206, %add3A_1215 : vector<1x8192xi32>
    %add3A_1217 = vector.broadcast %get3A_11 : i32 to vector<1x8192xi32>
    %add3A_1218 = arith.addi %xor3A_1214, %add3A_1217 : vector<1x8192xi32>
    %add3A_1219 = arith.constant 3 : i32
    %add3A_1220 = vector.broadcast %add3A_1219 : i32 to vector<1x8192xi32>
    %add3A_1221 = arith.addi %add3A_1218, %add3A_1220 : vector<1x8192xi32>
    %add3A_1222 = arith.addi %add3A_1216, %add3A_1221 : vector<1x8192xi32>
    %shift_left3A_1223 = arith.constant 17 : i32
    %shift_left3A_1224 = vector.broadcast %shift_left3A_1223 : i32 to vector<1x8192xi32>
    %shift_left3A_1225 = arith.shli %add3A_1221, %shift_left3A_1224 : vector<1x8192xi32>
    %shift_right_logical3A_1226 = arith.constant 15 : i32
    %shift_right_logical3A_1227 = vector.broadcast %shift_right_logical3A_1226 : i32 to vector<1x8192xi32>
    %shift_right_logical3A_1228 = arith.shrui %add3A_1221, %shift_right_logical3A_1227 : vector<1x8192xi32>
    %or3A_1229 = arith.ori %shift_left3A_1225, %shift_right_logical3A_1228 : vector<1x8192xi32>
    %xor3A_1230 = arith.xori %add3A_1222, %or3A_1229 : vector<1x8192xi32>
    %add3A_1231 = arith.addi %add3A_1222, %xor3A_1230 : vector<1x8192xi32>
    %shift_left3A_1232 = arith.constant 29 : i32
    %shift_left3A_1233 = vector.broadcast %shift_left3A_1232 : i32 to vector<1x8192xi32>
    %shift_left3A_1234 = arith.shli %xor3A_1230, %shift_left3A_1233 : vector<1x8192xi32>
    %shift_right_logical3A_1235 = arith.constant 3 : i32
    %shift_right_logical3A_1236 = vector.broadcast %shift_right_logical3A_1235 : i32 to vector<1x8192xi32>
    %shift_right_logical3A_1237 = arith.shrui %xor3A_1230, %shift_right_logical3A_1236 : vector<1x8192xi32>
    %or3A_1238 = arith.ori %shift_left3A_1234, %shift_right_logical3A_1237 : vector<1x8192xi32>
    %xor3A_1239 = arith.xori %add3A_1231, %or3A_1238 : vector<1x8192xi32>
    %add3A_1240 = arith.addi %add3A_1231, %xor3A_1239 : vector<1x8192xi32>
    %shift_left3A_1241 = arith.constant 16 : i32
    %shift_left3A_1242 = vector.broadcast %shift_left3A_1241 : i32 to vector<1x8192xi32>
    %shift_left3A_1243 = arith.shli %xor3A_1239, %shift_left3A_1242 : vector<1x8192xi32>
    %shift_right_logical3A_1244 = arith.constant 16 : i32
    %shift_right_logical3A_1245 = vector.broadcast %shift_right_logical3A_1244 : i32 to vector<1x8192xi32>
    %shift_right_logical3A_1246 = arith.shrui %xor3A_1239, %shift_right_logical3A_1245 : vector<1x8192xi32>
    %or3A_1247 = arith.ori %shift_left3A_1243, %shift_right_logical3A_1246 : vector<1x8192xi32>
    %xor3A_1248 = arith.xori %add3A_1240, %or3A_1247 : vector<1x8192xi32>
    %add3A_1249 = arith.addi %add3A_1240, %xor3A_1248 : vector<1x8192xi32>
    %shift_left3A_1250 = arith.constant 24 : i32
    %shift_left3A_1251 = vector.broadcast %shift_left3A_1250 : i32 to vector<1x8192xi32>
    %shift_left3A_1252 = arith.shli %xor3A_1248, %shift_left3A_1251 : vector<1x8192xi32>
    %shift_right_logical3A_1253 = arith.constant 8 : i32
    %shift_right_logical3A_1254 = vector.broadcast %shift_right_logical3A_1253 : i32 to vector<1x8192xi32>
    %shift_right_logical3A_1255 = arith.shrui %xor3A_1248, %shift_right_logical3A_1254 : vector<1x8192xi32>
    %or3A_1256 = arith.ori %shift_left3A_1252, %shift_right_logical3A_1255 : vector<1x8192xi32>
    %xor3A_1257 = arith.xori %add3A_1249, %or3A_1256 : vector<1x8192xi32>
    %add3A_1258 = vector.broadcast %get3A_11 : i32 to vector<1x8192xi32>
    %add3A_1259 = arith.addi %add3A_1249, %add3A_1258 : vector<1x8192xi32>
    %add3A_1260 = vector.broadcast %xor3A_1086 : i32 to vector<1x8192xi32>
    %add3A_1261 = arith.addi %xor3A_1257, %add3A_1260 : vector<1x8192xi32>
    %add3A_1262 = arith.constant 4 : i32
    %add3A_1263 = vector.broadcast %add3A_1262 : i32 to vector<1x8192xi32>
    %add3A_1264 = arith.addi %add3A_1261, %add3A_1263 : vector<1x8192xi32>
    %add3A_1265 = arith.addi %add3A_1259, %add3A_1264 : vector<1x8192xi32>
    %shift_left3A_1266 = arith.constant 13 : i32
    %shift_left3A_1267 = vector.broadcast %shift_left3A_1266 : i32 to vector<1x8192xi32>
    %shift_left3A_1268 = arith.shli %add3A_1264, %shift_left3A_1267 : vector<1x8192xi32>
    %shift_right_logical3A_1269 = arith.constant 19 : i32
    %shift_right_logical3A_1270 = vector.broadcast %shift_right_logical3A_1269 : i32 to vector<1x8192xi32>
    %shift_right_logical3A_1271 = arith.shrui %add3A_1264, %shift_right_logical3A_1270 : vector<1x8192xi32>
    %or3A_1272 = arith.ori %shift_left3A_1268, %shift_right_logical3A_1271 : vector<1x8192xi32>
    %xor3A_1273 = arith.xori %add3A_1265, %or3A_1272 : vector<1x8192xi32>
    %add3A_1274 = arith.addi %add3A_1265, %xor3A_1273 : vector<1x8192xi32>
    %shift_left3A_1275 = arith.constant 15 : i32
    %shift_left3A_1276 = vector.broadcast %shift_left3A_1275 : i32 to vector<1x8192xi32>
    %shift_left3A_1277 = arith.shli %xor3A_1273, %shift_left3A_1276 : vector<1x8192xi32>
    %shift_right_logical3A_1278 = arith.constant 17 : i32
    %shift_right_logical3A_1279 = vector.broadcast %shift_right_logical3A_1278 : i32 to vector<1x8192xi32>
    %shift_right_logical3A_1280 = arith.shrui %xor3A_1273, %shift_right_logical3A_1279 : vector<1x8192xi32>
    %or3A_1281 = arith.ori %shift_left3A_1277, %shift_right_logical3A_1280 : vector<1x8192xi32>
    %xor3A_1282 = arith.xori %add3A_1274, %or3A_1281 : vector<1x8192xi32>
    %add3A_1283 = arith.addi %add3A_1274, %xor3A_1282 : vector<1x8192xi32>
    %shift_left3A_1284 = arith.constant 26 : i32
    %shift_left3A_1285 = vector.broadcast %shift_left3A_1284 : i32 to vector<1x8192xi32>
    %shift_left3A_1286 = arith.shli %xor3A_1282, %shift_left3A_1285 : vector<1x8192xi32>
    %shift_right_logical3A_1287 = arith.constant 6 : i32
    %shift_right_logical3A_1288 = vector.broadcast %shift_right_logical3A_1287 : i32 to vector<1x8192xi32>
    %shift_right_logical3A_1289 = arith.shrui %xor3A_1282, %shift_right_logical3A_1288 : vector<1x8192xi32>
    %or3A_1290 = arith.ori %shift_left3A_1286, %shift_right_logical3A_1289 : vector<1x8192xi32>
    %xor3A_1291 = arith.xori %add3A_1283, %or3A_1290 : vector<1x8192xi32>
    %add3A_1292 = arith.addi %add3A_1283, %xor3A_1291 : vector<1x8192xi32>
    %shift_left3A_1293 = arith.constant 6 : i32
    %shift_left3A_1294 = vector.broadcast %shift_left3A_1293 : i32 to vector<1x8192xi32>
    %shift_left3A_1295 = arith.shli %xor3A_1291, %shift_left3A_1294 : vector<1x8192xi32>
    %shift_right_logical3A_1296 = arith.constant 26 : i32
    %shift_right_logical3A_1297 = vector.broadcast %shift_right_logical3A_1296 : i32 to vector<1x8192xi32>
    %shift_right_logical3A_1298 = arith.shrui %xor3A_1291, %shift_right_logical3A_1297 : vector<1x8192xi32>
    %or3A_1299 = arith.ori %shift_left3A_1295, %shift_right_logical3A_1298 : vector<1x8192xi32>
    %xor3A_1300 = arith.xori %add3A_1292, %or3A_1299 : vector<1x8192xi32>
    %add3A_1301 = vector.broadcast %xor3A_1086 : i32 to vector<1x8192xi32>
    %add3A_1302 = arith.addi %add3A_1292, %add3A_1301 : vector<1x8192xi32>
    %add3A_1303 = vector.broadcast %get3A_9 : i32 to vector<1x8192xi32>
    %add3A_1304 = arith.addi %xor3A_1300, %add3A_1303 : vector<1x8192xi32>
    %add3A_1305 = arith.constant 5 : i32
    %add3A_1306 = vector.broadcast %add3A_1305 : i32 to vector<1x8192xi32>
    %add3A_1307 = arith.addi %add3A_1304, %add3A_1306 : vector<1x8192xi32>
    %xor3A_1308 = arith.xori %add3A_1302, %add3A_1307 : vector<1x8192xi32>
    %shift_right_logical3A_1309 = arith.constant 9 : i32
    %shift_right_logical3A_1310 = vector.broadcast %shift_right_logical3A_1309 : i32 to vector<1x8192xi32>
    %shift_right_logical3A_1311 = arith.shrui %xor3A_1308, %shift_right_logical3A_1310 : vector<1x8192xi32>
    %or3A_1312 = arith.constant 1065353216 : i32
    %or3A_1313 = vector.broadcast %or3A_1312 : i32 to vector<1x8192xi32>
    %or3A_1314 = arith.ori %shift_right_logical3A_1311, %or3A_1313 : vector<1x8192xi32>
    %bitcast_convert_type3A_1315 = tpu.bitcast %or3A_1314 : vector<1x8192xi32> -> vector<1x8192xf32>
    %sub3A_1316 = arith.constant 1.000000e+00 : f32
    %sub3A_1317 = vector.broadcast %sub3A_1316 : f32 to vector<1x8192xf32>
    %sub3A_1318 = arith.subf %bitcast_convert_type3A_1315, %sub3A_1317 : vector<1x8192xf32>
    %mul3A_1319 = arith.constant 2.000000e+00 : f32
    %mul3A_1320 = vector.broadcast %mul3A_1319 : f32 to vector<1x8192xf32>
    %mul3A_1321 = arith.mulf %sub3A_1318, %mul3A_1320 : vector<1x8192xf32>
    %add3A_1322 = arith.constant -0.99999994 : f32
    %add3A_1323 = vector.broadcast %add3A_1322 : f32 to vector<1x8192xf32>
    %add3A_1324 = arith.addf %mul3A_1321, %add3A_1323 : vector<1x8192xf32>
    %max3A_1325 = arith.constant -0.99999994 : f32
    %max3A_1326 = vector.broadcast %max3A_1325 : f32 to vector<1x8192xf32>
    %max3A_1327 = arith.maximumf %max3A_1326, %add3A_1324 : vector<1x8192xf32>
    %erf_inv3A_1328 = arith.constant 0.000000e+00 : f32
    %erf_inv3A_1329 = vector.broadcast %erf_inv3A_1328 : f32 to vector<1x8192xf32>
    %erf_inv3A_1330 = arith.subf %erf_inv3A_1329, %max3A_1327 : vector<1x8192xf32>
    %erf_inv3A_1331 = arith.mulf %max3A_1327, %erf_inv3A_1330 : vector<1x8192xf32>
    %erf_inv3A_1332 = math.log1p %erf_inv3A_1331 : vector<1x8192xf32>
    %erf_inv3A_1333 = arith.constant 0.000000e+00 : f32
    %erf_inv3A_1334 = vector.broadcast %erf_inv3A_1333 : f32 to vector<1x8192xf32>
    %erf_inv3A_1335 = arith.subf %erf_inv3A_1334, %erf_inv3A_1332 : vector<1x8192xf32>
    %erf_inv3A_1336 = arith.constant 5.000000e+00 : f32
    %erf_inv3A_1337 = vector.broadcast %erf_inv3A_1336 : f32 to vector<1x8192xf32>
    %erf_inv3A_1338 = arith.cmpf olt, %erf_inv3A_1335, %erf_inv3A_1337 : vector<1x8192xf32>
    %erf_inv3A_1339 = arith.constant 2.500000e+00 : f32
    %erf_inv3A_1340 = vector.broadcast %erf_inv3A_1339 : f32 to vector<1x8192xf32>
    %erf_inv3A_1341 = arith.subf %erf_inv3A_1335, %erf_inv3A_1340 : vector<1x8192xf32>
    %erf_inv3A_1342 = math.sqrt %erf_inv3A_1335 : vector<1x8192xf32>
    %erf_inv3A_1343 = arith.constant 3.000000e+00 : f32
    %erf_inv3A_1344 = vector.broadcast %erf_inv3A_1343 : f32 to vector<1x8192xf32>
    %erf_inv3A_1345 = arith.subf %erf_inv3A_1342, %erf_inv3A_1344 : vector<1x8192xf32>
    %erf_inv3A_1346 = arith.select %erf_inv3A_1338, %erf_inv3A_1341, %erf_inv3A_1345 : vector<1x8192xi1>, vector<1x8192xf32>
    %erf_inv3A_1347 = arith.constant 2.81022636E-8 : f32
    %erf_inv3A_1348 = arith.constant -2.00214257E-4 : f32
    %erf_inv3A_1349 = vector.broadcast %erf_inv3A_1347 : f32 to vector<1x8192xf32>
    %erf_inv3A_1350 = vector.broadcast %erf_inv3A_1348 : f32 to vector<1x8192xf32>
    %erf_inv3A_1351 = arith.select %erf_inv3A_1338, %erf_inv3A_1349, %erf_inv3A_1350 : vector<1x8192xi1>, vector<1x8192xf32>
    %erf_inv3A_1352 = arith.constant 3.43273939E-7 : f32
    %erf_inv3A_1353 = arith.constant 1.00950558E-4 : f32
    %erf_inv3A_1354 = vector.broadcast %erf_inv3A_1352 : f32 to vector<1x8192xf32>
    %erf_inv3A_1355 = vector.broadcast %erf_inv3A_1353 : f32 to vector<1x8192xf32>
    %erf_inv3A_1356 = arith.select %erf_inv3A_1338, %erf_inv3A_1354, %erf_inv3A_1355 : vector<1x8192xi1>, vector<1x8192xf32>
    %erf_inv3A_1357 = arith.mulf %erf_inv3A_1351, %erf_inv3A_1346 : vector<1x8192xf32>
    %erf_inv3A_1358 = arith.addf %erf_inv3A_1356, %erf_inv3A_1357 : vector<1x8192xf32>
    %erf_inv3A_1359 = arith.constant -3.5233877E-6 : f32
    %erf_inv3A_1360 = arith.constant 0.00134934322 : f32
    %erf_inv3A_1361 = vector.broadcast %erf_inv3A_1359 : f32 to vector<1x8192xf32>
    %erf_inv3A_1362 = vector.broadcast %erf_inv3A_1360 : f32 to vector<1x8192xf32>
    %erf_inv3A_1363 = arith.select %erf_inv3A_1338, %erf_inv3A_1361, %erf_inv3A_1362 : vector<1x8192xi1>, vector<1x8192xf32>
    %erf_inv3A_1364 = arith.mulf %erf_inv3A_1358, %erf_inv3A_1346 : vector<1x8192xf32>
    %erf_inv3A_1365 = arith.addf %erf_inv3A_1363, %erf_inv3A_1364 : vector<1x8192xf32>
    %erf_inv3A_1366 = arith.constant -4.39150654E-6 : f32
    %erf_inv3A_1367 = arith.constant -0.00367342844 : f32
    %erf_inv3A_1368 = vector.broadcast %erf_inv3A_1366 : f32 to vector<1x8192xf32>
    %erf_inv3A_1369 = vector.broadcast %erf_inv3A_1367 : f32 to vector<1x8192xf32>
    %erf_inv3A_1370 = arith.select %erf_inv3A_1338, %erf_inv3A_1368, %erf_inv3A_1369 : vector<1x8192xi1>, vector<1x8192xf32>
    %erf_inv3A_1371 = arith.mulf %erf_inv3A_1365, %erf_inv3A_1346 : vector<1x8192xf32>
    %erf_inv3A_1372 = arith.addf %erf_inv3A_1370, %erf_inv3A_1371 : vector<1x8192xf32>
    %erf_inv3A_1373 = arith.constant 2.1858087E-4 : f32
    %erf_inv3A_1374 = arith.constant 0.00573950773 : f32
    %erf_inv3A_1375 = vector.broadcast %erf_inv3A_1373 : f32 to vector<1x8192xf32>
    %erf_inv3A_1376 = vector.broadcast %erf_inv3A_1374 : f32 to vector<1x8192xf32>
    %erf_inv3A_1377 = arith.select %erf_inv3A_1338, %erf_inv3A_1375, %erf_inv3A_1376 : vector<1x8192xi1>, vector<1x8192xf32>
    %erf_inv3A_1378 = arith.mulf %erf_inv3A_1372, %erf_inv3A_1346 : vector<1x8192xf32>
    %erf_inv3A_1379 = arith.addf %erf_inv3A_1377, %erf_inv3A_1378 : vector<1x8192xf32>
    %erf_inv3A_1380 = arith.constant -0.00125372503 : f32
    %erf_inv3A_1381 = arith.constant -0.0076224613 : f32
    %erf_inv3A_1382 = vector.broadcast %erf_inv3A_1380 : f32 to vector<1x8192xf32>
    %erf_inv3A_1383 = vector.broadcast %erf_inv3A_1381 : f32 to vector<1x8192xf32>
    %erf_inv3A_1384 = arith.select %erf_inv3A_1338, %erf_inv3A_1382, %erf_inv3A_1383 : vector<1x8192xi1>, vector<1x8192xf32>
    %erf_inv3A_1385 = arith.mulf %erf_inv3A_1379, %erf_inv3A_1346 : vector<1x8192xf32>
    %erf_inv3A_1386 = arith.addf %erf_inv3A_1384, %erf_inv3A_1385 : vector<1x8192xf32>
    %erf_inv3A_1387 = arith.constant -0.00417768164 : f32
    %erf_inv3A_1388 = arith.constant 0.00943887047 : f32
    %erf_inv3A_1389 = vector.broadcast %erf_inv3A_1387 : f32 to vector<1x8192xf32>
    %erf_inv3A_1390 = vector.broadcast %erf_inv3A_1388 : f32 to vector<1x8192xf32>
    %erf_inv3A_1391 = arith.select %erf_inv3A_1338, %erf_inv3A_1389, %erf_inv3A_1390 : vector<1x8192xi1>, vector<1x8192xf32>
    %erf_inv3A_1392 = arith.mulf %erf_inv3A_1386, %erf_inv3A_1346 : vector<1x8192xf32>
    %erf_inv3A_1393 = arith.addf %erf_inv3A_1391, %erf_inv3A_1392 : vector<1x8192xf32>
    %erf_inv3A_1394 = arith.constant 0.246640727 : f32
    %erf_inv3A_1395 = arith.constant 1.00167406 : f32
    %erf_inv3A_1396 = vector.broadcast %erf_inv3A_1394 : f32 to vector<1x8192xf32>
    %erf_inv3A_1397 = vector.broadcast %erf_inv3A_1395 : f32 to vector<1x8192xf32>
    %erf_inv3A_1398 = arith.select %erf_inv3A_1338, %erf_inv3A_1396, %erf_inv3A_1397 : vector<1x8192xi1>, vector<1x8192xf32>
    %erf_inv3A_1399 = arith.mulf %erf_inv3A_1393, %erf_inv3A_1346 : vector<1x8192xf32>
    %erf_inv3A_1400 = arith.addf %erf_inv3A_1398, %erf_inv3A_1399 : vector<1x8192xf32>
    %erf_inv3A_1401 = arith.constant 1.50140941 : f32
    %erf_inv3A_1402 = arith.constant 2.83297682 : f32
    %erf_inv3A_1403 = vector.broadcast %erf_inv3A_1401 : f32 to vector<1x8192xf32>
    %erf_inv3A_1404 = vector.broadcast %erf_inv3A_1402 : f32 to vector<1x8192xf32>
    %erf_inv3A_1405 = arith.select %erf_inv3A_1338, %erf_inv3A_1403, %erf_inv3A_1404 : vector<1x8192xi1>, vector<1x8192xf32>
    %erf_inv3A_1406 = arith.mulf %erf_inv3A_1400, %erf_inv3A_1346 : vector<1x8192xf32>
    %erf_inv3A_1407 = arith.addf %erf_inv3A_1405, %erf_inv3A_1406 : vector<1x8192xf32>
    %erf_inv3A_1408 = math.absf %max3A_1327 : vector<1x8192xf32>
    %erf_inv3A_1409 = arith.constant 1.000000e+00 : f32
    %erf_inv3A_1410 = vector.broadcast %erf_inv3A_1409 : f32 to vector<1x8192xf32>
    %erf_inv3A_1411 = arith.cmpf oeq, %erf_inv3A_1408, %erf_inv3A_1410 : vector<1x8192xf32>
    %erf_inv3A_1412 = arith.constant 0x7F800000 : f32
    %erf_inv3A_1413 = vector.broadcast %erf_inv3A_1412 : f32 to vector<1x8192xf32>
    %erf_inv3A_1414 = arith.mulf %erf_inv3A_1413, %max3A_1327 : vector<1x8192xf32>
    %erf_inv3A_1415 = arith.mulf %erf_inv3A_1407, %max3A_1327 : vector<1x8192xf32>
    %erf_inv3A_1416 = arith.select %erf_inv3A_1411, %erf_inv3A_1414, %erf_inv3A_1415 : vector<1x8192xi1>, vector<1x8192xf32>
    %mul3A_1417 = arith.constant 1.41421354 : f32
    %mul3A_1418 = vector.broadcast %mul3A_1417 : f32 to vector<1x8192xf32>
    %mul3A_1419 = arith.mulf %mul3A_1418, %erf_inv3A_1416 : vector<1x8192xf32>
    %custom_jvp_call3A_1420 = arith.constant 0.000000e+00 : f32
    %max3A_1421 = vector.broadcast %custom_jvp_call3A_1420 : f32 to vector<20x8192xf32>
    %max3A_1422 = arith.maximumf %slice3A_736, %max3A_1421 : vector<20x8192xf32>
    %sub3A_1423 = vector.broadcast %custom_jvp_call3A_1420 : f32 to vector<20x8192xf32>
    %sub3A_1424 = arith.subf %slice3A_736, %sub3A_1423 : vector<20x8192xf32>
    %ne3A_1425 = arith.cmpf one, %sub3A_1424, %sub3A_1424 : vector<20x8192xf32>
    %add3A_1426 = vector.broadcast %custom_jvp_call3A_1420 : f32 to vector<20x8192xf32>
    %add3A_1427 = arith.addf %slice3A_736, %add3A_1426 : vector<20x8192xf32>
    %abs3A_1428 = math.absf %sub3A_1424 : vector<20x8192xf32>
    %neg3A_1429 = arith.constant 0.000000e+00 : f32
    %neg3A_1430 = vector.broadcast %neg3A_1429 : f32 to vector<20x8192xf32>
    %neg3A_1431 = arith.subf %neg3A_1430, %abs3A_1428 : vector<20x8192xf32>
    %exp3A_1432 = math.exp %neg3A_1431 : vector<20x8192xf32>
    %log1p3A_1433 = math.log1p %exp3A_1432 : vector<20x8192xf32>
    %add3A_1434 = arith.addf %max3A_1422, %log1p3A_1433 : vector<20x8192xf32>
    %select_n3A_1435 = arith.select %ne3A_1425, %add3A_1427, %add3A_1434 : vector<20x8192xi1>, vector<20x8192xf32>
    %mul3A_1436 = arith.mulf %select_n3A_1435, %mul3A_1083 : vector<20x8192xf32>
    %add3A_1437 = arith.addf %slice3A_735, %mul3A_1436 : vector<20x8192xf32>
    %custom_jvp_call3A_1438 = arith.constant 0.000000e+00 : f32
    %max3A_1439 = vector.broadcast %custom_jvp_call3A_1438 : f32 to vector<1x8192xf32>
    %max3A_1440 = arith.maximumf %slice3A_738, %max3A_1439 : vector<1x8192xf32>
    %sub3A_1441 = vector.broadcast %custom_jvp_call3A_1438 : f32 to vector<1x8192xf32>
    %sub3A_1442 = arith.subf %slice3A_738, %sub3A_1441 : vector<1x8192xf32>
    %ne3A_1443 = arith.cmpf one, %sub3A_1442, %sub3A_1442 : vector<1x8192xf32>
    %add3A_1444 = vector.broadcast %custom_jvp_call3A_1438 : f32 to vector<1x8192xf32>
    %add3A_1445 = arith.addf %slice3A_738, %add3A_1444 : vector<1x8192xf32>
    %abs3A_1446 = math.absf %sub3A_1442 : vector<1x8192xf32>
    %neg3A_1447 = arith.constant 0.000000e+00 : f32
    %neg3A_1448 = vector.broadcast %neg3A_1447 : f32 to vector<1x8192xf32>
    %neg3A_1449 = arith.subf %neg3A_1448, %abs3A_1446 : vector<1x8192xf32>
    %exp3A_1450 = math.exp %neg3A_1449 : vector<1x8192xf32>
    %log1p3A_1451 = math.log1p %exp3A_1450 : vector<1x8192xf32>
    %add3A_1452 = arith.addf %max3A_1440, %log1p3A_1451 : vector<1x8192xf32>
    %select_n3A_1453 = arith.select %ne3A_1443, %add3A_1445, %add3A_1452 : vector<1x8192xi1>, vector<1x8192xf32>
    %mul3A_1454 = arith.mulf %select_n3A_1453, %mul3A_1419 : vector<1x8192xf32>
    %add3A_1455 = arith.addf %slice3A_737, %mul3A_1454 : vector<1x8192xf32>
    %mul3A_1456 = arith.mulf %add3A_712, %add3A_1437 : vector<20x8192xf32>
    %reduce_sum3A = arith.constant dense<0.000000e+00> : vector<8192xf32>
    %reduce_sum3A_1457 = vector.multi_reduction <add>, %mul3A_1456, %reduce_sum3A [0] : vector<20x8192xf32> to vector<8192xf32>
    %broadcast_in_dim3A_1458 = vector.shape_cast %reduce_sum3A_1457 : vector<8192xf32> to vector<1x8192xf32>
    %add3A_1459 = arith.addf %broadcast_in_dim3A_1458, %add3A_730 : vector<1x8192xf32>
    %add3A_1460 = arith.addf %add3A_1459, %add3A_1455 : vector<1x8192xf32>
    %add3A_1461 = vector.broadcast %add3A_7 : f32 to vector<1x8192xf32>
    %add3A_1462 = arith.addf %add3A_1460, %add3A_1461 : vector<1x8192xf32>
    %reshape3A = vector.shape_cast %add3A_1462 : vector<1x8192xf32> to vector<8192xf32>
    %swap3A = arith.constant 0 : index
    %swap3A_1463 = vector.load %arg7[%swap3A] : memref<8192xf32, #tpu.memory_space<vmem>>, vector<8192xf32>
    tpu.vector_store %arg7[%swap3A], %reshape3A {strides = array<i32>} : memref<8192xf32, #tpu.memory_space<vmem>>, vector<8192xf32>,
    return
  }
  func.func @transform_0(%arg0: i32) -> i32 {
    %c0_i32 = arith.constant 0 : i32
    %c0_i32_0 = arith.constant 0 : i32
    return %c0_i32 : i32
  }
  func.func @transform_1(%arg0: i32) -> i32 {
    %c0_i32 = arith.constant 0 : i32
    %c0_i32_0 = arith.constant 0 : i32
    return %c0_i32 : i32
  }
  func.func @transform_2(%arg0: i32) -> (i32, i32) {
    %c0_i32 = arith.constant 0 : i32
    %c0_i32_0 = arith.constant 0 : i32
    return %arg0, %c0_i32 : i32, i32
  }
  func.func @transform_3(%arg0: i32) -> (i32, i32) {
    %c0_i32 = arith.constant 0 : i32
    %c0_i32_0 = arith.constant 0 : i32
    return %arg0, %c0_i32 : i32, i32
  }
  func.func @transform_4(%arg0: i32) -> (i32, i32) {
    %c0_i32 = arith.constant 0 : i32
    %c0_i32_0 = arith.constant 0 : i32
    return %c0_i32, %arg0 : i32, i32
  }
  func.func @transform_5(%arg0: i32) -> (i32, i32) {
    %c0_i32 = arith.constant 0 : i32
    %c0_i32_0 = arith.constant 0 : i32
    return %c0_i32, %arg0 : i32, i32
  }
  func.func @transform_6(%arg0: i32) -> i32 {
    %c0_i32 = arith.constant 0 : i32
    return %arg0 : i32
  }
}

</mosaic_0001>

<sc_bundles>
// kernel: kernel.8.cloned.1.call-start
scs
__scs_entry_jumppad:
0x0: {  	(pc) =	sbr.rel $0x88, $3  }
0x1: {  	(tag) =	ssettag $0x0;
	lr =	simm.s32 $0x1  }
0x2: {  	[smem:$0x3F96] =	sst lr;
	_ =	strace $0xD0000000  }
0x3: {  	_ = 	snop  }
0x4: {  	_ = 	snop  }
0x5: {  	_ = 	snop  }
0x6: {  	_ = 	snop  }
0x7: {  	_ = 	snop  }
__scs_overlays_trampoline_lowered:
0x8: {  	[smem:$0x3FA5] =	sst s0  }
0x9: {  	[smem:$0x3FA6] =	sst s1  }
0xa: {  	[smem:$0x3FA7] =	sst s2  }
0xb: {  	[smem:$0x3FA8] =	sst s3  }
0xc: {  	[smem:$0x3FA9] =	sst s4  }
0xd: {  	[smem:$0x3FAA] =	sst s5  }
0xe: {  	[smem:$0x3FAB] =	sst s6  }
0xf: {  	[smem:$0x3FAC] =	sst s7  }
0x10: {  	[smem:$0x3FAD] =	sst s8  }
0x11: {  	[smem:$0x3FAE] =	sst s9;
	s0 =	simm.s32 @!p0 $0x0  }
0x12: {  	s1 =	sld [smem:$0x3F94];
	s0 =	simm.s32 @p0 $0x1  }
0x13: {  	[smem:$0x3FAF] =	sst s0;
	s0 =	simm.s32 @!p1 $0x0  }
0x14: {  	s2 =	sld [smem:$0x3F93];
	s0 =	simm.s32 @p1 $0x1  }
0x15: {  	[smem:$0x3FB0] =	sst s0;
	s0 =	simm.s32 @!p2 $0x0  }
0x16: {  	s3 =	sld [smem:$0x3FDB];
	s0 =	simm.s32 @p2 $0x1  }
0x17: {  	s4 =	simm.s32 $0x1BF5;
	[smem:$0x3FB2] =	sst s0  }
0x18: {  	s0 =	sld [smem:$0x3F95];
	_ =	swait.ge [sflag:s4], $0x0  }
0x19: {  	s7 =	sld [smem:$0x3F96]  }
0x1a: {  	s8 =	sadd.s32 $0xFFFFE003, lr  }
0x1b: {  	s9 =	sadd.s32 $0xFFFFFEF7, lr;
	s5 =	simm.s32 $0xFFFFFFFF;
	p2 =	slt.u32 s8, $0xFFFFF086  }
0x1c: {  	p1 =	slt.u32 s9, $0xF7A;
	s5 =	simm.s32 @!p2 $0x0  }
0x1d: {  	s5 =	simm.s32 @p1 $0x1;
	p0 =	seq.s32 s7, s2  }
0x1e: {  	s7 =	smul.u32 @!p0 $0xF7A, s2;
	p2 =	seq.s32 @!p0 s5, $0x0  }
0x1f: {  	s9 =	smul.u32 $0xF7A, s1;
	s8 =	simm.s32 @!p0 $0x1BF5;
	p2 =	por !p2, p0  }
0x20: {  	[sflag:s8] =	ssyncset.s32 @!p0 $0xFFFFF086;
	s6 =	sadd.s32 @!p0 s3, s7;
	s7 =	simm.s32 @!p0 $0x108  }
0x21: {  	s3 =	sadd.s32 s3, s9;
	s6 =	sadd.s32 @!p0 $0x88, s6;
	s7 =	simm.s32 @p2 $0x1082  }
0x22: {  	[simem:s7], [sflag:s8] =	dma.local @!p0 [hbm:s6], $0xF7A  }
0x23: {  	s9 =	sor.u32 $0xD0000000, s2;
	s6 =	simm.s32 $0x108;
	_ =	swait.ge @!p0 [sflag:s8], $0x0  }
0x24: {  	s3 =	sadd.s32 $0x88, s3;
	s6 =	simm.s32 @!p1 $0x1082;
	[sflag:s4] =	ssyncset.s32 $0xFFFFF086  }
0x25: {  	[simem:s6], [sflag:s4] =	dma.local [hbm:s3], $0xF7A  }
0x26: {  	[smem:$0x3F96] =	sst s1;
	(tag) =	ssettag s2;
	_ =	strace s9  }
0x27: {  	s1 =	sld [smem:$0x3FA6]  }
0x28: {  	s2 =	sld [smem:$0x3FA7]  }
0x29: {  	s4 =	sld [smem:$0x3FA9]  }
0x2a: {  	p0 =	seq.s32 s5, $0x0;
	s5 =	sld [smem:$0x3FAA]  }
0x2b: {  	s6 =	sld [smem:$0x3FAB]  }
0x2c: {  	s7 =	sld [smem:$0x3FAC]  }
0x2d: {  	s3 =	simm.s32 $0x108;
	s8 =	sld [smem:$0x3FAD]  }
0x2e: {  	s3 =	simm.s32 @!p0 $0x1082;
	s9 =	sld [smem:$0x3FAE]  }
0x2f: {  	lr =	sadd.s32 s0, s3;
	s0 =	sld [smem:$0x3FA5]  }
0x30: {  	s3 =	sld [smem:$0x3FA8]  }
0x31: {  	[smem:$0x3FB1] =	sst s10  }
0x32: {  	s10 =	sld [smem:$0x3FAF];
	_ =	sdelay $0x3  }
0x33: {  	p0 =	seq.s32 s10, $0x1;
	s10 =	sld [smem:$0x3FB1];
	_ =	sdelay $0x3  }
0x34: {  	[smem:$0x3FB1] =	sst s10  }
0x35: {  	s10 =	sld [smem:$0x3FB0];
	_ =	sdelay $0x3  }
0x36: {  	p1 =	seq.s32 s10, $0x1;
	s10 =	sld [smem:$0x3FB1];
	_ =	sdelay $0x3  }
0x37: {  	[smem:$0x3FB1] =	sst s10  }
0x38: {  	s10 =	sld [smem:$0x3FB2]  }
0x39: {  	_ = 	snop;
	(pc) =	sbr.ind lr, $3  }
0x3a: {  	_ = 	snop  }
0x3b: {  	_ = 	snop  }
0x3c: {  	p2 =	seq.s32 s10, $0x1;
	s10 =	sld [smem:$0x3FB1]  }
0x3d: {  	_ =	shalt  }
0x3e: {  	_ =	shalt  }
0x3f: {  	_ =	shalt  }
0x40: {  	_ =	shalt  }
0x41: {  	_ =	shalt  }
0x42: {  	_ =	shalt  }
0x43: {  	_ =	shalt  }
0x44: {  	_ =	shalt  }
0x45: {  	_ =	shalt  }
0x46: {  	_ =	shalt  }
0x47: {  	_ =	shalt  }
0x48: {  	_ =	shalt  }
0x49: {  	_ =	shalt  }
0x4a: {  	_ =	shalt  }
0x4b: {  	_ =	shalt  }
0x4c: {  	_ =	shalt  }
0x4d: {  	_ =	shalt  }
0x4e: {  	_ =	shalt  }
0x4f: {  	_ =	shalt  }
0x50: {  	_ =	shalt  }
0x51: {  	_ =	shalt  }
0x52: {  	_ =	shalt  }
0x53: {  	_ =	shalt  }
0x54: {  	_ =	shalt  }
0x55: {  	_ =	shalt  }
0x56: {  	_ =	shalt  }
0x57: {  	_ =	shalt  }
0x58: {  	_ =	shalt  }
0x59: {  	_ =	shalt  }
0x5a: {  	_ =	shalt  }
0x5b: {  	_ =	shalt  }
0x5c: {  	_ =	shalt  }
0x5d: {  	_ =	shalt  }
0x5e: {  	_ =	shalt  }
0x5f: {  	_ =	shalt  }
0x60: {  	_ =	shalt  }
0x61: {  	_ =	shalt  }
0x62: {  	_ =	shalt  }
0x63: {  	_ =	shalt  }
0x64: {  	_ =	shalt  }
0x65: {  	_ =	shalt  }
0x66: {  	_ =	shalt  }
0x67: {  	_ =	shalt  }
0x68: {  	_ =	shalt  }
0x69: {  	_ =	shalt  }
0x6a: {  	_ =	shalt  }
0x6b: {  	_ =	shalt  }
0x6c: {  	_ =	shalt  }
0x6d: {  	_ =	shalt  }
0x6e: {  	_ =	shalt  }
0x6f: {  	_ =	shalt  }
0x70: {  	_ =	shalt  }
0x71: {  	_ =	shalt  }
0x72: {  	_ =	shalt  }
0x73: {  	_ =	shalt  }
0x74: {  	_ =	shalt  }
0x75: {  	_ =	shalt  }
0x76: {  	_ =	shalt  }
0x77: {  	_ =	shalt  }
0x78: {  	_ =	shalt  }
0x79: {  	_ =	shalt  }
0x7a: {  	_ =	shalt  }
0x7b: {  	_ =	shalt  }
0x7c: {  	_ =	shalt  }
0x7d: {  	_ =	shalt  }
0x7e: {  	_ =	shalt  }
0x7f: {  	_ =	shalt  }
0x80: {  	_ =	shalt  }
0x81: {  	_ =	shalt  }
0x82: {  	_ =	shalt  }
0x83: {  	_ =	shalt  }
0x84: {  	_ =	shalt  }
0x85: {  	_ =	shalt  }
0x86: {  	_ =	shalt  }
0x87: {  	_ =	shalt  }
.Lfunc_end0:
.L_simem_size_0:
called_computation_lowered:
.L_overlay_start_0:
0x88: {  	s2 =	sld [smem:$0x3FD9]  }
0x89: {  	s3 =	sld [smem:$0x3FFE];
	_ =	sdelay $0x1  }
0x8a: {  	s1 =	srdreg.scid  }
0x8b: {  	s0 =	sand.u32 $0x1, s1  }
0x8c: {  	s14 =	sshll.u32 s0, $0xA;
	s2 =	sadd.s32 s3, s2  }
0x8d: {  	s2 =	sadd.s32 s2, s14  }
0x8e: {  	[smem:$0x3FBD] =	sst s2  }
0x8f: {  	_ = 	snop  }
0x90: {  	s2 =	sld [smem:$0x3FD0];
	_ =	sdelay $0x2  }
0x91: {  	s15 =	simm.s32 $0xA;
	s4 =	simm.s32 $0x10  }
0x92: {  	[smem:s4], [sflag:s15] =	dma.local [hbm:s2], $0x1  }
0x93: {  	_ =	swait.eq [sflag:s15], $0x1  }
0x94: {  	[sflag:s15] =	ssyncset.done $0x0  }
0x95: {  	[sflag:s15] =	ssyncadd.s32 $0xFFFFFFFF  }
0x96: {  	s16 =	sld [smem:$0x10];
	(tm) =	ssettm $0x1  }
0x97: {  	s17 =	sld [smem:$0x3FFB];
	_ =	sdelay $0x3  }
0x98: {  	_ =	strace s17  }
0x99: {  	s3 =	sld [smem:$0x3FFC];
	_ =	sdelay $0x3  }
0x9a: {  	_ =	strace s3  }
0x9b: {  	s3 =	sld [smem:$0x3FFD];
	_ =	sdelay $0x3  }
0x9c: {  	_ =	strace s3  }
0x9d: {  	_ =	strace $0x8FFFFFFF  }
0x9e: {  	s18 =	sld [smem:$0x3FDB];
	_ =	sdelay $0x1  }
0x9f: {  	s19 =	simm.s32 $_scs_section_size  }
0xa0: {  	s5 =	simm.s32 $_size__tile_overlayer_lowered;
	s6 =	simm.s32 $_tile_overlayer_lowered  }
0xa1: {  	s22 =	simm.s32 $0x1BFF;
	s21 =	sshll.u32 s6, $0x1;
	s3 =	sadd.s32 s19, s18  }
0xa2: {  	s7 =	simm.s32 $0x0;
	s20 =	sshll.u32 s5, $0x1;
	s5 =	sadd.s32 s21, s3  }
0xa3: {  	[timem:s7], [sflag:s22] =	dma.local [hbm:s5], s20  }
0xa4: {  	_ =	swait.ge [sflag:s22], s20  }
0xa5: {  	s4 =	ssub.s32 $0x0, s20;
	[sflag:s22] =	ssyncset.done $0x0  }
0xa6: {  	[sflag:s22] =	ssyncadd.s32 s4;
	_ =	sdelay $0x1  }
0xa7: {  	s23 =	simm.s32 $0x1B8B  }
0xa8: {  	_ =	swait.ge [sflag:s23], $0x1  }
0xa9: {  	[sflag:s23] =	ssyncset.done $0x0  }
0xaa: {  	s25 =	simm.s32 $0x1B8E;
	s24 =	sld [smem:$0x3FFE];
	[sflag:s23] =	ssyncadd.s32 $0xFFFFFFFF  }
0xab: {  	s26 =	simm.s32 $execute0_lowered;
	[smem:$0x3FD2] =	sst s25  }
0xac: {  	s5 =	sshll.u32 s26, $0x1;
	_ =	strace $0x80000046;
	[dreg:$0x1] =	wrdreg $0xFFFFFFFF  }
0xad: {  	s28 =	simm.s32 $_size_execute0_lowered;
	s3 =	sadd.s32 s3, s5;
	[dreg:$0x0] =	wrdreg $0x0  }
0xae: {  	s5 =	sshll.u32 s28, $0x1;
	[dreg:$0x2] =	wrdreg s3  }
0xaf: {  	[dreg:$0x3] =	wrdreg s5  }
0xb0: {  	[dreg:$0x4] =	wrdreg $0xC0  }
0xb1: {  	_ =	task [dreg:s7], $0x5FFFF  }
0xb2: {  	[dreg:$0x1] =	wrdreg $0xFFFFFFFF  }
0xb3: {  	[dreg:$0x0] =	wrdreg $0x60  }
0xb4: {  	[dreg:$0x2] =	wrdreg s24  }
0xb5: {  	[dreg:$0x3] =	wrdreg s16  }
0xb6: {  	[dreg:$0x4] =	wrdreg $0x9  }
0xb7: {  	_ =	task.clear_ibuf [dreg:s7], $0x5FFFF;
	_ =	strace $0x90000046  }
0xb8: {  	s29 =	simm.s32 $0x9;
	_ =	strace $0x80000048  }
0xb9: {  	_ =	swait.ge [sflag:s29], $0x1  }
0xba: {  	[sflag:s29] =	ssyncadd.s32 $0xFFFFFFFF  }
0xbb: {  	_ =	strace $0x90000048  }
0xbc: {  	_ =	sfence  }
0xbd: {  	s30 =	sld [smem:$0x0];
	_ =	sdelay $0x2  }
0xbe: {  	s31 =	sshll.u32 s1, $0xD;
	s1 =	sshrl.u32 s1, $0x2  }
0xbf: {  	s3 =	sand.u32 $0x4000, s31;
	s1 =	sadd.s32 s1, s30  }
0xc0: {  	s0 =	sor.u32 s3, s0;
	s1 =	sshll.u32 s1, $0x11  }
0xc1: {  	s0 =	sor.u32 s1, s0  }
0xc2: {  	s0 =	sadd.s32 $0x8F2B, s0  }
0xc3: {  	[sflag:s0] =	ssyncadd.remote.s32 $0x1  }
0xc4: {  	_ =	sfence.sel $0xFFFF  }
0xc5: {  	[dreg:$0x0] =	wrdreg $0xFFFFFFFF;
	(pc) =	sbr.abs _section_cstart, $3  }
0xc6: {  	[dreg:$0x1] =	wrdreg $0xFFFFFFFF  }
0xc7: {  	_ =	task.clear_ibuf [dreg:s7], $0x2FFFF;
	_ =	strace $0x9FFFFFFF  }
0xc8: {  	(tm) =	ssettm $0x7FFFFFFF  }
0xc9: {  	_ =	shalt  }
tec
execute0_lowered:
.L_overlay_start_1:
0x0: {  	(tag) =	ssettag $0x1  }
0x1: {  	s1 =	srdreg.scid  }
0x2: {  	s0 =	stileid.u32;
	s20 =	sand.u32 $0x1, s1  }
0x3: {  	s16 =	rddreg [dreg:$0x0];
	s30 =	sshll.u32 s0, $0xA;
	s2 =	sshll.u32 s20, $0x9  }
0x4: {  	s5 =	rddreg [dreg:$0x1];
	s17 =	sor.u32 s2, s30  }
0x5: {  	s1 =	rddreg [dreg:$0x2];
	s2 =	simm.s32 $0x0;
	s6 =	sshrl.u32 s17, $0x3  }
0x6: {  	[smem:$0x7FF] =	sst s2;
	s3 =	sadd.s32 s6, s16  }
0x7: {  	_ =	strace $0x80000047;
	s4 =	sadd.s32 $0x1C00, s3;
	s3 =	simm.s32 $0x2  }
0x8: {  	[tilespmem:s2], [sflag:$0x2] =	stream.linear.gather [hbm4b:s4+s2], $0x200, $0x38;
	[tilespmem:$0x10400] =	vst v63  }
0x9: {  	_ =	swait.ge [sflag:s3], $0x200  }
0xa: {  	[sflag:s3] =	ssyncset.done $0x0  }
0xb: {  	s5 =	sadd.s32 s5, s6;
	s6 =	simm.s32 $0x200;
	[sflag:s3] =	ssyncadd.s32 $0xFFFFFE00  }
0xc: {  	[tilespmem:s6], [sflag:$0x2] =	stream.linear.gather [hbm4b:s5+s2], $0x200, $0x38;
	[tilespmem:$0x10400] =	vst v63  }
0xd: {  	_ =	swait.ge [sflag:s3], $0x200  }
0xe: {  	s8 =	simm.s32 $0x80;
	[sflag:s3] =	ssyncset.done $0x0  }
0xf: {  	s9 =	simm.s32 $0x400;
	s7 =	sadd.s32 $0x2400, s16;
	[sflag:s3] =	ssyncadd.s32 $0xFFFFFE00  }
0x10: {  	[tilespmem:s9], [sflag:$0x1] =	stream.indirect.gather [hbm4b:s7+s8], $0x80, s2, s8, $0xb8;
	[tilespmem:$0x10400] =	vst v63  }
0x11: {  	s10 =	simm.s32 $0x4400  }
0x12: {  	[tilespmem:s10], [sflag:$0x1] =	stream.indirect.gather [hbm4b:s7+s8], $0x80, s8, s8, $0xb8;
	[tilespmem:$0x10400] =	vst v63  }
0x13: {  	s11 =	simm.s32 $0x100;
	s12 =	simm.s32 $0x8400  }
0x14: {  	[tilespmem:s12], [sflag:$0x1] =	stream.indirect.gather [hbm4b:s7+s8], $0x80, s11, s8, $0xb8;
	[tilespmem:$0x10400] =	vst v63  }
0x15: {  	s13 =	simm.s32 $0x180;
	s14 =	simm.s32 $0xC400;
	s15 =	simm.s32 $0x1  }
0x16: {  	[tilespmem:s14], [sflag:$0x1] =	stream.indirect.gather [hbm4b:s7+s8], $0x80, s13, s8, $0xb8;
	[tilespmem:$0x10400] =	vst v63  }
0x17: {  	_ =	swait.ge [sflag:s15], $0x4000  }
0x18: {  	[sflag:s15] =	ssyncset.done $0x0  }
0x19: {  	[sflag:s15] =	ssyncadd.s32 $0xFFFFC000  }
0x1a: {  	_ =	swait.ge [sflag:s15], $0x4000  }
0x1b: {  	[sflag:s15] =	ssyncset.done $0x0  }
0x1c: {  	[sflag:s15] =	ssyncadd.s32 $0xFFFFC000  }
0x1d: {  	_ =	swait.ge [sflag:s15], $0x4000  }
0x1e: {  	[sflag:s15] =	ssyncset.done $0x0  }
0x1f: {  	[sflag:s15] =	ssyncadd.s32 $0xFFFFC000  }
0x20: {  	s17 =	sshll.u32 s17, $0x4;
	_ =	swait.ge [sflag:s15], $0x4000  }
0x21: {  	s21 =	sadd.s32 s17, s16;
	[sflag:s15] =	ssyncset.done $0x0  }
0x22: {  	s16 =	sadd.s32 $0x188E00, s21;
	[sflag:s15] =	ssyncadd.s32 $0xFFFFC000  }
0x23: {  	[hbm4b:s16+s2] =	stream.linear.scatter [tilespmem:s9], [sflag:$0x2], $0x10000, $0x38;
	[tilespmem:$0x10400] =	vst v63  }
0x24: {  	_ =	swait.ge [sflag:s3], $0x10000  }
0x25: {  	[sflag:s3] =	ssyncset.done $0x0  }
0x26: {  	[sflag:s3] =	ssyncadd.s32 $0xFFFF0000  }
0x27: {  	[tilespmem:s9], [sflag:$0x1] =	stream.indirect.gather [hbm4b:s7+s8], $0x80, s6, s8, $0xb8;
	[tilespmem:$0x10400] =	vst v63  }
0x28: {  	s17 =	simm.s32 $0x280  }
0x29: {  	[tilespmem:s10], [sflag:$0x1] =	stream.indirect.gather [hbm4b:s7+s8], $0x80, s17, s8, $0xb8;
	[tilespmem:$0x10400] =	vst v63  }
0x2a: {  	s18 =	simm.s32 $0x300  }
0x2b: {  	[tilespmem:s12], [sflag:$0x1] =	stream.indirect.gather [hbm4b:s7+s8], $0x80, s18, s8, $0xb8;
	[tilespmem:$0x10400] =	vst v63  }
0x2c: {  	s19 =	simm.s32 $0x380  }
0x2d: {  	[tilespmem:s14], [sflag:$0x1] =	stream.indirect.gather [hbm4b:s7+s8], $0x80, s19, s8, $0xb8;
	[tilespmem:$0x10400] =	vst v63  }
0x2e: {  	_ =	swait.ge [sflag:s15], $0x4000  }
0x2f: {  	[sflag:s15] =	ssyncset.done $0x0  }
0x30: {  	[sflag:s15] =	ssyncadd.s32 $0xFFFFC000  }
0x31: {  	_ =	swait.ge [sflag:s15], $0x4000  }
0x32: {  	[sflag:s15] =	ssyncset.done $0x0  }
0x33: {  	s20 =	ssub.s32 $0x2, s20;
	[sflag:s15] =	ssyncadd.s32 $0xFFFFC000  }
0x34: {  	s22 =	sshrl.u32 s20, $0x1;
	_ =	swait.ge [sflag:s15], $0x4000  }
0x35: {  	s22 =	ssub.s32 s20, s22;
	[sflag:s15] =	ssyncset.done $0x0  }
0x36: {  	s31 =	smax.u32 s22, $0x1;
	[sflag:s15] =	ssyncadd.s32 $0xFFFFC000  }
0x37: {  	p0 =	sne.s32 s31, $0x1;
	_ =	swait.ge [sflag:s15], $0x4000  }
.Ltmp0:
0x38: {  	[sflag:s15] =	ssyncset.done $0x0;
	(pc) =	sbr.rel @!p0 .LBB2_2-.Ltmp0, $4  }
0x39: {  	s20 =	sadd.s32 $0x1C8E00, s21;
	[sflag:s15] =	ssyncadd.s32 $0xFFFFC000  }
0x3a: {  	[hbm4b:s20+s2] =	stream.linear.scatter [tilespmem:s9], [sflag:$0x2], $0x10000, $0x38;
	[tilespmem:$0x10400] =	vst v63  }
0x3b: {  	_ =	swait.ge [sflag:s3], $0x10000  }
0x3c: {  	s21 =	sadd.s32 $0xFFFFFFFF, s31;
	[sflag:s3] =	ssyncset.done $0x0  }
.LBB2_1:
0x3d: {  	p0 =	sne.s32 s21, $0x1;
	s21 =	sadd.s32 $0xFFFFFFFF, s21;
	[sflag:s3] =	ssyncadd.s32 $0xFFFF0000  }
0x3e: {  	[tilespmem:s2], [sflag:$0x2] =	stream.linear.gather [hbm4b:s4+s2], $0x200, $0x38;
	[tilespmem:$0x10400] =	vst v63  }
0x3f: {  	_ =	swait.ge [sflag:s3], $0x200  }
0x40: {  	[sflag:s3] =	ssyncset.done $0x0  }
0x41: {  	[sflag:s3] =	ssyncadd.s32 $0xFFFFFE00  }
0x42: {  	[tilespmem:s6], [sflag:$0x2] =	stream.linear.gather [hbm4b:s5+s2], $0x200, $0x38;
	[tilespmem:$0x10400] =	vst v63  }
0x43: {  	_ =	swait.ge [sflag:s3], $0x200  }
0x44: {  	[sflag:s3] =	ssyncset.done $0x0  }
0x45: {  	[sflag:s3] =	ssyncadd.s32 $0xFFFFFE00  }
0x46: {  	[tilespmem:s9], [sflag:$0x1] =	stream.indirect.gather [hbm4b:s7+s8], $0x80, s2, s8, $0xb8;
	[tilespmem:$0x10400] =	vst v63  }
0x47: {  	_ = 	snop  }
0x48: {  	[tilespmem:s10], [sflag:$0x1] =	stream.indirect.gather [hbm4b:s7+s8], $0x80, s8, s8, $0xb8;
	[tilespmem:$0x10400] =	vst v63  }
0x49: {  	_ = 	snop  }
0x4a: {  	[tilespmem:s12], [sflag:$0x1] =	stream.indirect.gather [hbm4b:s7+s8], $0x80, s11, s8, $0xb8;
	[tilespmem:$0x10400] =	vst v63  }
0x4b: {  	_ = 	snop  }
0x4c: {  	[tilespmem:s14], [sflag:$0x1] =	stream.indirect.gather [hbm4b:s7+s8], $0x80, s13, s8, $0xb8;
	[tilespmem:$0x10400] =	vst v63  }
0x4d: {  	_ =	swait.ge [sflag:s15], $0x4000  }
0x4e: {  	[sflag:s15] =	ssyncset.done $0x0  }
0x4f: {  	[sflag:s15] =	ssyncadd.s32 $0xFFFFC000  }
0x50: {  	_ =	swait.ge [sflag:s15], $0x4000  }
0x51: {  	[sflag:s15] =	ssyncset.done $0x0  }
0x52: {  	[sflag:s15] =	ssyncadd.s32 $0xFFFFC000  }
0x53: {  	_ =	swait.ge [sflag:s15], $0x4000  }
0x54: {  	[sflag:s15] =	ssyncset.done $0x0  }
0x55: {  	[sflag:s15] =	ssyncadd.s32 $0xFFFFC000  }
0x56: {  	_ =	swait.ge [sflag:s15], $0x4000  }
0x57: {  	[sflag:s15] =	ssyncset.done $0x0  }
0x58: {  	[sflag:s15] =	ssyncadd.s32 $0xFFFFC000  }
0x59: {  	[hbm4b:s16+s2] =	stream.linear.scatter [tilespmem:s9], [sflag:$0x2], $0x10000, $0x38;
	[tilespmem:$0x10400] =	vst v63  }
0x5a: {  	_ =	swait.ge [sflag:s3], $0x10000  }
0x5b: {  	[sflag:s3] =	ssyncset.done $0x0  }
0x5c: {  	[sflag:s3] =	ssyncadd.s32 $0xFFFF0000  }
0x5d: {  	[tilespmem:s9], [sflag:$0x1] =	stream.indirect.gather [hbm4b:s7+s8], $0x80, s6, s8, $0xb8;
	[tilespmem:$0x10400] =	vst v63  }
0x5e: {  	_ = 	snop  }
0x5f: {  	[tilespmem:s10], [sflag:$0x1] =	stream.indirect.gather [hbm4b:s7+s8], $0x80, s17, s8, $0xb8;
	[tilespmem:$0x10400] =	vst v63  }
0x60: {  	_ = 	snop  }
0x61: {  	[tilespmem:s12], [sflag:$0x1] =	stream.indirect.gather [hbm4b:s7+s8], $0x80, s18, s8, $0xb8;
	[tilespmem:$0x10400] =	vst v63  }
0x62: {  	_ = 	snop  }
0x63: {  	[tilespmem:s14], [sflag:$0x1] =	stream.indirect.gather [hbm4b:s7+s8], $0x80, s19, s8, $0xb8;
	[tilespmem:$0x10400] =	vst v63  }
0x64: {  	_ =	swait.ge [sflag:s15], $0x4000  }
0x65: {  	[sflag:s15] =	ssyncset.done $0x0  }
0x66: {  	[sflag:s15] =	ssyncadd.s32 $0xFFFFC000  }
0x67: {  	_ =	swait.ge [sflag:s15], $0x4000  }
0x68: {  	[sflag:s15] =	ssyncset.done $0x0  }
0x69: {  	[sflag:s15] =	ssyncadd.s32 $0xFFFFC000  }
0x6a: {  	_ =	swait.ge [sflag:s15], $0x4000  }
0x6b: {  	[sflag:s15] =	ssyncset.done $0x0  }
0x6c: {  	[sflag:s15] =	ssyncadd.s32 $0xFFFFC000  }
0x6d: {  	_ =	swait.ge [sflag:s15], $0x4000  }
.Ltmp1:
0x6e: {  	[sflag:s15] =	ssyncset.done $0x0;
	(pc) =	sbr.rel @p0 .LBB2_1-.Ltmp1, $4  }
0x6f: {  	[sflag:s15] =	ssyncadd.s32 $0xFFFFC000  }
0x70: {  	[hbm4b:s20+s2] =	stream.linear.scatter [tilespmem:s9], [sflag:$0x2], $0x10000, $0x38;
	[tilespmem:$0x10400] =	vst v63  }
0x71: {  	_ =	swait.ge [sflag:s3], $0x10000  }
0x72: {  	[sflag:s3] =	ssyncset.done $0x0  }
.LBB2_2:
0x73: {  	[sflag:s3] =	ssyncadd.s32 $0xFFFF0000  }
0x74: {  	_ =	sfence.sel $0x180000  }
0x75: {  	[bflag:$0x0] =	sbarrier.arrive $0xFFFF  }
0x76: {  	p0 =	sne.s32 s0, $0x0;
	_ =	strace $0x90000047  }
0x77: {  	s0 =	sadd.s32 @!p0 $0x100000, s1;
	[bflag:$0x2] =	sbarrier.arrive $0xFFFF  }
0x78: {  	[sflag:s0] =	ssyncadd.tile.s32 @!p0 $0x1;
	_ =	shalt  }
.Lfunc_end2:
_tile_overlayer_lowered:
.L_overlay_start_2:
0x79: {  	(tag) =	ssettag $0x2  }
0x7a: {  	s0 =	rddreg [dreg:$0x0];
	s2 =	stileid.u32  }
0x7b: {  	s1 =	rddreg [dreg:$0x1];
	p0 =	sne.s32 s2, $0x0  }
0x7c: {  	s3 =	rddreg [dreg:$0x2];
	[bflag:$0x3] =	sbarrier.arrive $0xFFFF;
	s2 =	simm.s32 @!p0 $0x1C02  }
0x7d: {  	[timem:s3], [sflag:s2] =	dma.local @!p0 [hbm:s0], s1  }
0x7e: {  	s0 =	simm.s32 @!p0 $0x2  }
0x7f: {  	_ =	swait.ge @!p0 [sflag:s0], s1  }
0x80: {  	s1 =	ssub.s32 @!p0 $0x0, s1;
	[sflag:s0] =	ssyncset.done @!p0 $0x0  }
0x81: {  	[sflag:s0] =	ssyncadd.s32 @!p0 s1  }
0x82: {  	[bflag:$0x3] =	sbarrier.arrive $0xFFFF  }
0x83: {  	_ =	shalt  }

</sc_bundles>
